<compile_context>
chip_gen: v7x
topology: tpu7x:2x2x1
jax: 0.10.2.dev20260603
libtpu: 0.0.44.dev20260713+nightly
codegen_flags: <defaults>
</compile_context>

<pallas_src>
import functools

import jax
import jax.numpy as jnp
from jax import lax
from jax.experimental import pallas as pl
from jax.experimental.pallas import tpu as pltpu
from jax.experimental.pallas import tpu_sc as plsc

N_NODES = 10000
N_EDGES = 320000
D_FEAT = 128

NC = 2
NS = 16
NW = NC * NS
W = 40
EPW = N_EDGES // NW
WPW = EPW // W
NBUF = 5

ROWS_MAIN = 624
TAIL_BASE = NS * ROWS_MAIN
TAIL_ROWS = N_NODES - TAIL_BASE


def _sc_segment_partials(image, src1d, dst3d):
    mesh = plsc.VectorSubcoreMesh(core_axis_name="c", subcore_axis_name="s")

    @functools.partial(
        pl.kernel,
        out_type=jax.ShapeDtypeStruct((NC, N_NODES, D_FEAT), jnp.float32),
        mesh=mesh,
        compiler_params=pltpu.CompilerParams(use_tc_tiling_on_sc=False),
        scratch_types=[
            pltpu.VMEM_SHARED((N_NODES, D_FEAT), jnp.float32),
            pltpu.VMEM((EPW,), jnp.int32),
            pltpu.VMEM((WPW, W), jnp.int32),
            pltpu.VMEM((NBUF, W, D_FEAT), jnp.float32),
            pltpu.SemaphoreType.DMA,
            pltpu.SemaphoreType.DMA,
            pltpu.SemaphoreType.DMA,
            pltpu.SemaphoreType.DMA,
            pltpu.SemaphoreType.DMA,
            pltpu.SemaphoreType.DMA,
        ],
    )
    def k(image_hbm, src_hbm, dst_hbm, out_hbm, acc, src_idx, dst_idx,
          ring, g0, g1, g2, g3, g4, isem):
        c = lax.axis_index("c")
        s = lax.axis_index("s")
        wid = c * NS + s

        gsem = [g0, g1, g2, g3, g4]

        zero = jnp.zeros((16,), jnp.float32)

        @pl.loop(0, W)
        def _(i):
            @pl.loop(0, D_FEAT, step=16)
            def _(j):
                ring[0, i, pl.ds(j, 16)] = zero

        row_base = s * ROWS_MAIN

        @pl.loop(0, ROWS_MAIN - 24, step=W)
        def _(r):
            pltpu.sync_copy(ring.at[0], acc.at[pl.ds(row_base + r, W)])

        pltpu.sync_copy(ring.at[0].at[pl.ds(0, 24)],
                        acc.at[pl.ds(row_base + 600, 24)])

        @pl.when(s == NS - 1)
        def _():
            pltpu.sync_copy(ring.at[0].at[pl.ds(0, TAIL_ROWS)],
                            acc.at[pl.ds(TAIL_BASE, TAIL_ROWS)])

        pltpu.async_copy(src_hbm.at[pl.ds(wid * EPW, EPW)], src_idx, isem)
        pltpu.async_copy(dst_hbm.at[wid], dst_idx, isem)
        pltpu.make_async_copy(src_hbm.at[pl.ds(wid * EPW, EPW)], src_idx,
                              isem).wait()
        pltpu.make_async_copy(dst_hbm.at[wid], dst_idx, isem).wait()

        plsc.subcore_barrier()

        def start_gather(widx, b):
            pltpu.async_copy(image_hbm.at[src_idx.at[pl.ds(widx * W, W)]],
                             ring.at[b], gsem[b])

        def wait_gather(b):
            pltpu.make_async_copy(image_hbm.at[src_idx.at[pl.ds(0, W)]],
                                  ring.at[b], gsem[b]).wait()

        def scatter_add(widx, b):
            pltpu.sync_copy(ring.at[b], acc.at[dst_idx.at[widx]], add=True)

        for b in range(NBUF):
            start_gather(b, b)

        @pl.loop(0, WPW - NBUF, step=NBUF)
        def _(i):
            for b in range(NBUF):
                wait_gather(b)
                scatter_add(i + b, b)
                start_gather(i + b + NBUF, b)

        for b in range(NBUF):
            wait_gather(b)
            scatter_add(WPW - NBUF + b, b)

        plsc.subcore_barrier()

        pltpu.sync_copy(
            acc.at[pl.ds(row_base, ROWS_MAIN)],
            out_hbm.at[c].at[pl.ds(row_base, ROWS_MAIN)],
        )

        @pl.when(s == NS - 1)
        def _():
            pltpu.sync_copy(
                acc.at[pl.ds(TAIL_BASE, TAIL_ROWS)],
                out_hbm.at[c].at[pl.ds(TAIL_BASE, TAIL_ROWS)],
            )

    return k(image, src1d, dst3d)


def _tc_combine(partials):
    def body(p_ref, o_ref):
        o_ref[...] = p_ref[0] + p_ref[1]

    blk = 2000
    return pl.pallas_call(
        body,
        out_shape=jax.ShapeDtypeStruct((N_NODES, D_FEAT), jnp.float32),
        grid=(N_NODES // blk,),
        in_specs=[pl.BlockSpec((NC, blk, D_FEAT), lambda i: (0, i, 0))],
        out_specs=pl.BlockSpec((blk, D_FEAT), lambda i: (i, 0)),
    )(partials)


@jax.jit
def kernel(image, edge_index):
    src1d = edge_index[0]
    dst3d = edge_index[1].reshape(NW, WPW, W)
    partials = _sc_segment_partials(image, src1d, dst3d)
    mailbox_agg = _tc_combine(partials)
    return (image, mailbox_agg)

# --- scband reference (transcript-rebuilt; emitter-appended) ---
"""Pipeline reference for scband-gcn-71811853189580 (READ-ONLY COPY).

The authoritative reference and input builder live on the scoring server;
editing this copy changes nothing except your own understanding.
"""

import jax, jax.numpy as jnp
import numpy as np

N_NODES = 10000
N_EDGES = 320000
D_FEAT = 128


def setup_inputs(seed: int = 0) -> dict:
    key = jax.random.key(seed)
    k1, k2 = jax.random.split(key)
    image = jax.random.normal(k1, (N_NODES, D_FEAT), dtype=jnp.float32)
    edge_index = jax.random.randint(k2, (2, N_EDGES), 0, N_NODES, dtype=jnp.int32)
    return {"image": image, "edge_index": edge_index}


def reference(image, edge_index):
    # DGL g.update_all(fn.copy_u('image', 'm'), node_udf):
    #  1) message: m = copy_u -> gather source-node features per edge
    #  2) mailbox materialized per destination node; we emulate the mailbox
    #     aggregation with a segment-sum over dst (the gather/scatter work
    #     that update_all performs on device)
    #  3) node_udf returns {'image': nodes.data['image']} -> node feature
    #     'image' is left unchanged
    src = edge_index[0]
    dst = edge_index[1]
    m = jnp.take(image, src, axis=0)
    mailbox_agg = jax.ops.segment_sum(m, dst, num_segments=N_NODES)
    new_image = image  # node_udf keeps original feature
    return (new_image, mailbox_agg)

if __name__ == "__main__":
    import jax
    _d = setup_inputs()
    print(jax.jit(kernel)(*tuple(_d.values())))

</pallas_src>

<mosaic_0001>
#map = affine_map<(d0, d1) -> (0, 0)>
#map1 = affine_map<(d0, d1) -> (0)>
#map2 = affine_map<(d0, d1) -> (0, 0, 0)>
module attributes {stable_mosaic.version = 14 : i64} {
  func.func @k(%arg0: i32, %arg1: i32, %arg2: memref<10000x128xf32, #tpu.memory_space<hbm>>, %arg3: memref<320000xi32, #tpu.memory_space<hbm>>, %arg4: memref<32x250x40xi32, #tpu.memory_space<hbm>>, %arg5: memref<2x10000x128xf32, #tpu.memory_space<hbm>>, %arg6: memref<10000x128xf32, #tpu.memory_space<vmem_shared>>, %arg7: memref<10000xi32, #tpu.memory_space<vmem>>, %arg8: memref<250x40xi32, #tpu.memory_space<vmem>>, %arg9: memref<5x40x128xf32, #tpu.memory_space<vmem>>, %arg10: memref<!tpu.dma_semaphore, #tpu.memory_space<semaphore_mem>>, %arg11: memref<!tpu.dma_semaphore, #tpu.memory_space<semaphore_mem>>, %arg12: memref<!tpu.dma_semaphore, #tpu.memory_space<semaphore_mem>>, %arg13: memref<!tpu.dma_semaphore, #tpu.memory_space<semaphore_mem>>, %arg14: memref<!tpu.dma_semaphore, #tpu.memory_space<semaphore_mem>>, %arg15: memref<!tpu.dma_semaphore, #tpu.memory_space<semaphore_mem>>) attributes {dimension_semantics = [#tpu.dimension_semantics<core_parallel>, #tpu.dimension_semantics<subcore_parallel>], iteration_bounds = array<i64: 2, 16>, scalar_prefetch = 0 : i64, scratch_operands = 10 : i64, tpu.core_type = #tpu.core_type<sc_vector_subcore>, window_params = [{transform_indices = #map}, {transform_indices = #map1}, {transform_indices = #map2}, {transform_indices = #map2}]} {
    %mul3A = arith.constant 16 : i32
    %mul3A_0 = arith.muli %arg0, %mul3A : i32
    %add3A = arith.addi %mul3A_0, %arg1 : i32
    %broadcast_in_dim3A = arith.constant 0.000000e+00 : f32
    %broadcast_in_dim3A_1 = vector.broadcast %broadcast_in_dim3A : f32 to vector<16xf32>
    %scan3A = arith.constant 0 : i32
    %scan3A_2 = arith.constant 40 : i32
    %scan3A_3 = arith.addi %scan3A, %scan3A_2 : i32
    %scan3A_4 = arith.constant 1 : i32
    scf.for %scan3A_160 = %scan3A to %scan3A_3 step %scan3A_4  : i32 {
      %mul3A_161 = arith.constant 1 : i32
      %mul3A_162 = arith.muli %scan3A_160, %mul3A_161 : i32
      %add3A_163 = arith.constant 0 : i32
      %add3A_164 = arith.addi %add3A_163, %mul3A_162 : i32
      %scan3A_165 = arith.constant 0 : i32
      %scan3A_166 = arith.constant 8 : i32
      %scan3A_167 = arith.addi %scan3A_165, %scan3A_166 : i32
      %scan3A_168 = arith.constant 1 : i32
      scf.for %scan3A_170 = %scan3A_165 to %scan3A_167 step %scan3A_168  : i32 {
        %mul3A_171 = arith.constant 16 : i32
        %mul3A_172 = arith.muli %scan3A_170, %mul3A_171 : i32
        %add3A_173 = arith.constant 0 : i32
        %add3A_174 = arith.addi %add3A_173, %mul3A_172 : i32
        %swap3A = arith.constant 0 : i32
        %swap3A_175 = arith.index_cast %swap3A : i32 to index
        %swap3A_176 = arith.index_cast %add3A_164 : i32 to index
        %swap3A_177 = arith.index_cast %add3A_174 : i32 to index
        %swap3A_178 = tpu.vector_load %arg9[%swap3A_175, %swap3A_176, %swap3A_177] {strides = array<i32>} : memref<5x40x128xf32, #tpu.memory_space<vmem>>, vector<1x1x16xf32>,
        %swap3A_179 = vector.shape_cast %swap3A_178 : vector<1x1x16xf32> to vector<16xf32>
        %swap3A_180 = vector.shape_cast %broadcast_in_dim3A_1 : vector<16xf32> to vector<1x1x16xf32>
        tpu.vector_store %arg9[%swap3A_175, %swap3A_176, %swap3A_177], %swap3A_180 {strides = array<i32>} : memref<5x40x128xf32, #tpu.memory_space<vmem>>, vector<1x1x16xf32>,
      }
      %scan3A_169 = arith.constant 8 : i32
    }
    %scan3A_5 = arith.constant 40 : i32
    %mul3A_6 = arith.constant 624 : i32
    %mul3A_7 = arith.muli %arg1, %mul3A_6 : i32
    %scan3A_8 = arith.constant 0 : i32
    %scan3A_9 = arith.constant 15 : i32
    %scan3A_10 = arith.addi %scan3A_8, %scan3A_9 : i32
    %scan3A_11 = arith.constant 1 : i32
    scf.for %scan3A_160 = %scan3A_8 to %scan3A_10 step %scan3A_11  : i32 {
      %mul3A_161 = arith.constant 40 : i32
      %mul3A_162 = arith.muli %scan3A_160, %mul3A_161 : i32
      %add3A_163 = arith.constant 0 : i32
      %add3A_164 = arith.addi %add3A_163, %mul3A_162 : i32
      %add3A_165 = arith.addi %mul3A_7, %add3A_164 : i32
      %run_scoped3A_166 = arith.constant 0 : i32
      "tpu.region"() ({
        %run_scoped3A_167 = tpu.sem_alloc : memref<!tpu.dma_semaphore, #tpu.memory_space<semaphore_mem>>
        %dma_start3A_168 = arith.constant 0 : i32
        %dma_start3A_169 = arith.constant 0 : i32
        %dma_start3A_170 = tpu.memref_slice %arg9[%run_scoped3A_166, %dma_start3A_168, %dma_start3A_169] : memref<5x40x128xf32, #tpu.memory_space<vmem>> -> memref<1x40x128xf32, #tpu.memory_space<vmem>>
        %dma_start3A_171 = tpu.memref_squeeze %dma_start3A_170 : memref<1x40x128xf32, #tpu.memory_space<vmem>> -> memref<40x128xf32, #tpu.memory_space<vmem>>
        %dma_start3A_172 = arith.constant 0 : i32
        %dma_start3A_173 = tpu.memref_slice %arg6[%add3A_165, %dma_start3A_172] : memref<10000x128xf32, #tpu.memory_space<vmem_shared>> -> memref<40x128xf32, #tpu.memory_space<vmem_shared>>
        %dma_start3A_174 = arith.constant 0 : i32
        %dma_start3A_175 = tpu.memref_slice %arg6[%add3A_165, %dma_start3A_174] : memref<10000x128xf32, #tpu.memory_space<vmem_shared>> -> memref<40x128xf32, #tpu.memory_space<vmem_shared>>
        %dma_start3A_176 = arith.constant 0 : i32
        %dma_start3A_177 = arith.constant 0 : i32
        %dma_start3A_178 = tpu.memref_slice %arg9[%run_scoped3A_166, %dma_start3A_176, %dma_start3A_177] : memref<5x40x128xf32, #tpu.memory_space<vmem>> -> memref<1x40x128xf32, #tpu.memory_space<vmem>>
        %dma_start3A_179 = tpu.memref_squeeze %dma_start3A_178 : memref<1x40x128xf32, #tpu.memory_space<vmem>> -> memref<40x128xf32, #tpu.memory_space<vmem>>
        tpu.enqueue_dma source(%dma_start3A_179 : memref<40x128xf32, #tpu.memory_space<vmem>>) target(%dma_start3A_175 : memref<40x128xf32, #tpu.memory_space<vmem_shared>>) target_semaphore(%run_scoped3A_167 : memref<!tpu.dma_semaphore, #tpu.memory_space<semaphore_mem>>)
        %dma_wait3A_180 = arith.constant 0 : i32
        %dma_wait3A_181 = arith.constant 0 : i32
        %dma_wait3A_182 = tpu.memref_slice %arg9[%run_scoped3A_166, %dma_wait3A_180, %dma_wait3A_181] : memref<5x40x128xf32, #tpu.memory_space<vmem>> -> memref<1x40x128xf32, #tpu.memory_space<vmem>>
        %dma_wait3A_183 = tpu.memref_squeeze %dma_wait3A_182 : memref<1x40x128xf32, #tpu.memory_space<vmem>> -> memref<40x128xf32, #tpu.memory_space<vmem>>
        %dma_wait3A_184 = arith.constant 0 : i32
        %dma_wait3A_185 = tpu.memref_slice %arg6[%add3A_165, %dma_wait3A_184] : memref<10000x128xf32, #tpu.memory_space<vmem_shared>> -> memref<40x128xf32, #tpu.memory_space<vmem_shared>>
        %dma_wait3A_186 = arith.constant 0 : i32
        %dma_wait3A_187 = tpu.memref_slice %arg6[%add3A_165, %dma_wait3A_186] : memref<10000x128xf32, #tpu.memory_space<vmem_shared>> -> memref<40x128xf32, #tpu.memory_space<vmem_shared>>
        %dma_wait3A_188 = arith.constant 0 : i32
        %dma_wait3A_189 = arith.constant 0 : i32
        %dma_wait3A_190 = tpu.memref_slice %arg9[%run_scoped3A_166, %dma_wait3A_188, %dma_wait3A_189] : memref<5x40x128xf32, #tpu.memory_space<vmem>> -> memref<1x40x128xf32, #tpu.memory_space<vmem>>
        %dma_wait3A_191 = tpu.memref_squeeze %dma_wait3A_190 : memref<1x40x128xf32, #tpu.memory_space<vmem>> -> memref<40x128xf32, #tpu.memory_space<vmem>>
        tpu.wait_dma2 semaphore(%run_scoped3A_167 : memref<!tpu.dma_semaphore, #tpu.memory_space<semaphore_mem>>) src(%dma_wait3A_191 : memref<40x128xf32, #tpu.memory_space<vmem>>) dst(%dma_wait3A_187 : memref<40x128xf32, #tpu.memory_space<vmem_shared>>)
        tpu.yield
      }) : () -> ()
    }
    %scan3A_12 = arith.constant 15 : i32
    %add3A_13 = arith.constant 600 : i32
    %add3A_14 = arith.addi %mul3A_7, %add3A_13 : i32
    %run_scoped3A = arith.constant 0 : i32
    "tpu.region"() ({
      %run_scoped3A_160 = tpu.sem_alloc : memref<!tpu.dma_semaphore, #tpu.memory_space<semaphore_mem>>
      %dma_start3A_161 = arith.constant 0 : i32
      %dma_start3A_162 = arith.constant 0 : i32
      %dma_start3A_163 = tpu.memref_slice %arg9[%run_scoped3A, %dma_start3A_161, %dma_start3A_162] : memref<5x40x128xf32, #tpu.memory_space<vmem>> -> memref<1x40x128xf32, #tpu.memory_space<vmem>>
      %dma_start3A_164 = tpu.memref_squeeze %dma_start3A_163 : memref<1x40x128xf32, #tpu.memory_space<vmem>> -> memref<40x128xf32, #tpu.memory_space<vmem>>
      %dma_start3A_165 = arith.constant 0 : i32
      %dma_start3A_166 = arith.constant 0 : i32
      %dma_start3A_167 = tpu.memref_slice %dma_start3A_164[%dma_start3A_165, %dma_start3A_166] : memref<40x128xf32, #tpu.memory_space<vmem>> -> memref<24x128xf32, #tpu.memory_space<vmem>>
      %dma_start3A_168 = arith.constant 0 : i32
      %dma_start3A_169 = tpu.memref_slice %arg6[%add3A_14, %dma_start3A_168] : memref<10000x128xf32, #tpu.memory_space<vmem_shared>> -> memref<24x128xf32, #tpu.memory_space<vmem_shared>>
      %dma_start3A_170 = arith.constant 0 : i32
      %dma_start3A_171 = tpu.memref_slice %arg6[%add3A_14, %dma_start3A_170] : memref<10000x128xf32, #tpu.memory_space<vmem_shared>> -> memref<24x128xf32, #tpu.memory_space<vmem_shared>>
      %dma_start3A_172 = arith.constant 0 : i32
      %dma_start3A_173 = arith.constant 0 : i32
      %dma_start3A_174 = tpu.memref_slice %arg9[%run_scoped3A, %dma_start3A_172, %dma_start3A_173] : memref<5x40x128xf32, #tpu.memory_space<vmem>> -> memref<1x40x128xf32, #tpu.memory_space<vmem>>
      %dma_start3A_175 = tpu.memref_squeeze %dma_start3A_174 : memref<1x40x128xf32, #tpu.memory_space<vmem>> -> memref<40x128xf32, #tpu.memory_space<vmem>>
      %dma_start3A_176 = arith.constant 0 : i32
      %dma_start3A_177 = arith.constant 0 : i32
      %dma_start3A_178 = tpu.memref_slice %dma_start3A_175[%dma_start3A_176, %dma_start3A_177] : memref<40x128xf32, #tpu.memory_space<vmem>> -> memref<24x128xf32, #tpu.memory_space<vmem>>
      tpu.enqueue_dma source(%dma_start3A_178 : memref<24x128xf32, #tpu.memory_space<vmem>>) target(%dma_start3A_171 : memref<24x128xf32, #tpu.memory_space<vmem_shared>>) target_semaphore(%run_scoped3A_160 : memref<!tpu.dma_semaphore, #tpu.memory_space<semaphore_mem>>)
      %dma_wait3A_179 = arith.constant 0 : i32
      %dma_wait3A_180 = arith.constant 0 : i32
      %dma_wait3A_181 = tpu.memref_slice %arg9[%run_scoped3A, %dma_wait3A_179, %dma_wait3A_180] : memref<5x40x128xf32, #tpu.memory_space<vmem>> -> memref<1x40x128xf32, #tpu.memory_space<vmem>>
      %dma_wait3A_182 = tpu.memref_squeeze %dma_wait3A_181 : memref<1x40x128xf32, #tpu.memory_space<vmem>> -> memref<40x128xf32, #tpu.memory_space<vmem>>
      %dma_wait3A_183 = arith.constant 0 : i32
      %dma_wait3A_184 = arith.constant 0 : i32
      %dma_wait3A_185 = tpu.memref_slice %dma_wait3A_182[%dma_wait3A_183, %dma_wait3A_184] : memref<40x128xf32, #tpu.memory_space<vmem>> -> memref<24x128xf32, #tpu.memory_space<vmem>>
      %dma_wait3A_186 = arith.constant 0 : i32
      %dma_wait3A_187 = tpu.memref_slice %arg6[%add3A_14, %dma_wait3A_186] : memref<10000x128xf32, #tpu.memory_space<vmem_shared>> -> memref<24x128xf32, #tpu.memory_space<vmem_shared>>
      %dma_wait3A_188 = arith.constant 0 : i32
      %dma_wait3A_189 = tpu.memref_slice %arg6[%add3A_14, %dma_wait3A_188] : memref<10000x128xf32, #tpu.memory_space<vmem_shared>> -> memref<24x128xf32, #tpu.memory_space<vmem_shared>>
      %dma_wait3A_190 = arith.constant 0 : i32
      %dma_wait3A_191 = arith.constant 0 : i32
      %dma_wait3A_192 = tpu.memref_slice %arg9[%run_scoped3A, %dma_wait3A_190, %dma_wait3A_191] : memref<5x40x128xf32, #tpu.memory_space<vmem>> -> memref<1x40x128xf32, #tpu.memory_space<vmem>>
      %dma_wait3A_193 = tpu.memref_squeeze %dma_wait3A_192 : memref<1x40x128xf32, #tpu.memory_space<vmem>> -> memref<40x128xf32, #tpu.memory_space<vmem>>
      %dma_wait3A_194 = arith.constant 0 : i32
      %dma_wait3A_195 = arith.constant 0 : i32
      %dma_wait3A_196 = tpu.memref_slice %dma_wait3A_193[%dma_wait3A_194, %dma_wait3A_195] : memref<40x128xf32, #tpu.memory_space<vmem>> -> memref<24x128xf32, #tpu.memory_space<vmem>>
      tpu.wait_dma2 semaphore(%run_scoped3A_160 : memref<!tpu.dma_semaphore, #tpu.memory_space<semaphore_mem>>) src(%dma_wait3A_196 : memref<24x128xf32, #tpu.memory_space<vmem>>) dst(%dma_wait3A_189 : memref<24x128xf32, #tpu.memory_space<vmem_shared>>)
      tpu.yield
    }) : () -> ()
    %eq3A = arith.constant 15 : i32
    %eq3A_15 = arith.cmpi eq, %arg1, %eq3A : i32
    %convert_element_type3A = arith.extui %eq3A_15 : i1 to i32
    %cond3A = arith.constant 0 : i32
    %cond3A_16 = arith.cmpi ne, %convert_element_type3A, %cond3A : i32
    scf.if %cond3A_16 {
      %run_scoped3A_160 = arith.constant 0 : i32
      "tpu.region"() ({
        %run_scoped3A_161 = tpu.sem_alloc : memref<!tpu.dma_semaphore, #tpu.memory_space<semaphore_mem>>
        %dma_start3A_162 = arith.constant 0 : i32
        %dma_start3A_163 = arith.constant 0 : i32
        %dma_start3A_164 = tpu.memref_slice %arg9[%run_scoped3A_160, %dma_start3A_162, %dma_start3A_163] : memref<5x40x128xf32, #tpu.memory_space<vmem>> -> memref<1x40x128xf32, #tpu.memory_space<vmem>>
        %dma_start3A_165 = tpu.memref_squeeze %dma_start3A_164 : memref<1x40x128xf32, #tpu.memory_space<vmem>> -> memref<40x128xf32, #tpu.memory_space<vmem>>
        %dma_start3A_166 = arith.constant 0 : i32
        %dma_start3A_167 = arith.constant 0 : i32
        %dma_start3A_168 = tpu.memref_slice %dma_start3A_165[%dma_start3A_166, %dma_start3A_167] : memref<40x128xf32, #tpu.memory_space<vmem>> -> memref<16x128xf32, #tpu.memory_space<vmem>>
        %dma_start3A_169 = arith.constant 9984 : i32
        %dma_start3A_170 = arith.constant 0 : i32
        %dma_start3A_171 = tpu.memref_slice %arg6[%dma_start3A_169, %dma_start3A_170] : memref<10000x128xf32, #tpu.memory_space<vmem_shared>> -> memref<16x128xf32, #tpu.memory_space<vmem_shared>>
        %dma_start3A_172 = arith.constant 9984 : i32
        %dma_start3A_173 = arith.constant 0 : i32
        %dma_start3A_174 = tpu.memref_slice %arg6[%dma_start3A_172, %dma_start3A_173] : memref<10000x128xf32, #tpu.memory_space<vmem_shared>> -> memref<16x128xf32, #tpu.memory_space<vmem_shared>>
        %dma_start3A_175 = arith.constant 0 : i32
        %dma_start3A_176 = arith.constant 0 : i32
        %dma_start3A_177 = tpu.memref_slice %arg9[%run_scoped3A_160, %dma_start3A_175, %dma_start3A_176] : memref<5x40x128xf32, #tpu.memory_space<vmem>> -> memref<1x40x128xf32, #tpu.memory_space<vmem>>
        %dma_start3A_178 = tpu.memref_squeeze %dma_start3A_177 : memref<1x40x128xf32, #tpu.memory_space<vmem>> -> memref<40x128xf32, #tpu.memory_space<vmem>>
        %dma_start3A_179 = arith.constant 0 : i32
        %dma_start3A_180 = arith.constant 0 : i32
        %dma_start3A_181 = tpu.memref_slice %dma_start3A_178[%dma_start3A_179, %dma_start3A_180] : memref<40x128xf32, #tpu.memory_space<vmem>> -> memref<16x128xf32, #tpu.memory_space<vmem>>
        tpu.enqueue_dma source(%dma_start3A_181 : memref<16x128xf32, #tpu.memory_space<vmem>>) target(%dma_start3A_174 : memref<16x128xf32, #tpu.memory_space<vmem_shared>>) target_semaphore(%run_scoped3A_161 : memref<!tpu.dma_semaphore, #tpu.memory_space<semaphore_mem>>)
        %dma_wait3A_182 = arith.constant 0 : i32
        %dma_wait3A_183 = arith.constant 0 : i32
        %dma_wait3A_184 = tpu.memref_slice %arg9[%run_scoped3A_160, %dma_wait3A_182, %dma_wait3A_183] : memref<5x40x128xf32, #tpu.memory_space<vmem>> -> memref<1x40x128xf32, #tpu.memory_space<vmem>>
        %dma_wait3A_185 = tpu.memref_squeeze %dma_wait3A_184 : memref<1x40x128xf32, #tpu.memory_space<vmem>> -> memref<40x128xf32, #tpu.memory_space<vmem>>
        %dma_wait3A_186 = arith.constant 0 : i32
        %dma_wait3A_187 = arith.constant 0 : i32
        %dma_wait3A_188 = tpu.memref_slice %dma_wait3A_185[%dma_wait3A_186, %dma_wait3A_187] : memref<40x128xf32, #tpu.memory_space<vmem>> -> memref<16x128xf32, #tpu.memory_space<vmem>>
        %dma_wait3A_189 = arith.constant 9984 : i32
        %dma_wait3A_190 = arith.constant 0 : i32
        %dma_wait3A_191 = tpu.memref_slice %arg6[%dma_wait3A_189, %dma_wait3A_190] : memref<10000x128xf32, #tpu.memory_space<vmem_shared>> -> memref<16x128xf32, #tpu.memory_space<vmem_shared>>
        %dma_wait3A_192 = arith.constant 9984 : i32
        %dma_wait3A_193 = arith.constant 0 : i32
        %dma_wait3A_194 = tpu.memref_slice %arg6[%dma_wait3A_192, %dma_wait3A_193] : memref<10000x128xf32, #tpu.memory_space<vmem_shared>> -> memref<16x128xf32, #tpu.memory_space<vmem_shared>>
        %dma_wait3A_195 = arith.constant 0 : i32
        %dma_wait3A_196 = arith.constant 0 : i32
        %dma_wait3A_197 = tpu.memref_slice %arg9[%run_scoped3A_160, %dma_wait3A_195, %dma_wait3A_196] : memref<5x40x128xf32, #tpu.memory_space<vmem>> -> memref<1x40x128xf32, #tpu.memory_space<vmem>>
        %dma_wait3A_198 = tpu.memref_squeeze %dma_wait3A_197 : memref<1x40x128xf32, #tpu.memory_space<vmem>> -> memref<40x128xf32, #tpu.memory_space<vmem>>
        %dma_wait3A_199 = arith.constant 0 : i32
        %dma_wait3A_200 = arith.constant 0 : i32
        %dma_wait3A_201 = tpu.memref_slice %dma_wait3A_198[%dma_wait3A_199, %dma_wait3A_200] : memref<40x128xf32, #tpu.memory_space<vmem>> -> memref<16x128xf32, #tpu.memory_space<vmem>>
        tpu.wait_dma2 semaphore(%run_scoped3A_161 : memref<!tpu.dma_semaphore, #tpu.memory_space<semaphore_mem>>) src(%dma_wait3A_201 : memref<16x128xf32, #tpu.memory_space<vmem>>) dst(%dma_wait3A_194 : memref<16x128xf32, #tpu.memory_space<vmem_shared>>)
        tpu.yield
      }) : () -> ()
    } else {
    }
    %mul3A_17 = arith.constant 10000 : i32
    %mul3A_18 = arith.muli %add3A, %mul3A_17 : i32
    %dma_start3A = tpu.memref_slice %arg3[%mul3A_18] : memref<320000xi32, #tpu.memory_space<hbm>> -> memref<10000xi32, #tpu.memory_space<hbm>>
    %dma_start3A_19 = tpu.memref_slice %arg3[%mul3A_18] : memref<320000xi32, #tpu.memory_space<hbm>> -> memref<10000xi32, #tpu.memory_space<hbm>>
    tpu.enqueue_dma source(%dma_start3A_19 : memref<10000xi32, #tpu.memory_space<hbm>>) target(%arg7 : memref<10000xi32, #tpu.memory_space<vmem>>) target_semaphore(%arg15 : memref<!tpu.dma_semaphore, #tpu.memory_space<semaphore_mem>>)
    %dma_start3A_20 = arith.constant 0 : i32
    %dma_start3A_21 = arith.constant 0 : i32
    %dma_start3A_22 = tpu.memref_slice %arg4[%add3A, %dma_start3A_20, %dma_start3A_21] : memref<32x250x40xi32, #tpu.memory_space<hbm>> -> memref<1x250x40xi32, #tpu.memory_space<hbm>>
    %dma_start3A_23 = tpu.memref_squeeze %dma_start3A_22 : memref<1x250x40xi32, #tpu.memory_space<hbm>> -> memref<250x40xi32, #tpu.memory_space<hbm>>
    %dma_start3A_24 = arith.constant 0 : i32
    %dma_start3A_25 = arith.constant 0 : i32
    %dma_start3A_26 = tpu.memref_slice %arg4[%add3A, %dma_start3A_24, %dma_start3A_25] : memref<32x250x40xi32, #tpu.memory_space<hbm>> -> memref<1x250x40xi32, #tpu.memory_space<hbm>>
    %dma_start3A_27 = tpu.memref_squeeze %dma_start3A_26 : memref<1x250x40xi32, #tpu.memory_space<hbm>> -> memref<250x40xi32, #tpu.memory_space<hbm>>
    tpu.enqueue_dma source(%dma_start3A_27 : memref<250x40xi32, #tpu.memory_space<hbm>>) target(%arg8 : memref<250x40xi32, #tpu.memory_space<vmem>>) target_semaphore(%arg15 : memref<!tpu.dma_semaphore, #tpu.memory_space<semaphore_mem>>)
    %mul3A_28 = arith.constant 10000 : i32
    %mul3A_29 = arith.muli %add3A, %mul3A_28 : i32
    %dma_wait3A = tpu.memref_slice %arg3[%mul3A_29] : memref<320000xi32, #tpu.memory_space<hbm>> -> memref<10000xi32, #tpu.memory_space<hbm>>
    %dma_wait3A_30 = tpu.memref_slice %arg3[%mul3A_29] : memref<320000xi32, #tpu.memory_space<hbm>> -> memref<10000xi32, #tpu.memory_space<hbm>>
    tpu.wait_dma2 semaphore(%arg15 : memref<!tpu.dma_semaphore, #tpu.memory_space<semaphore_mem>>) src(%dma_wait3A_30 : memref<10000xi32, #tpu.memory_space<hbm>>) dst(%arg7 : memref<10000xi32, #tpu.memory_space<vmem>>)
    %dma_wait3A_31 = arith.constant 0 : i32
    %dma_wait3A_32 = arith.constant 0 : i32
    %dma_wait3A_33 = tpu.memref_slice %arg4[%add3A, %dma_wait3A_31, %dma_wait3A_32] : memref<32x250x40xi32, #tpu.memory_space<hbm>> -> memref<1x250x40xi32, #tpu.memory_space<hbm>>
    %dma_wait3A_34 = tpu.memref_squeeze %dma_wait3A_33 : memref<1x250x40xi32, #tpu.memory_space<hbm>> -> memref<250x40xi32, #tpu.memory_space<hbm>>
    %dma_wait3A_35 = arith.constant 0 : i32
    %dma_wait3A_36 = arith.constant 0 : i32
    %dma_wait3A_37 = tpu.memref_slice %arg4[%add3A, %dma_wait3A_35, %dma_wait3A_36] : memref<32x250x40xi32, #tpu.memory_space<hbm>> -> memref<1x250x40xi32, #tpu.memory_space<hbm>>
    %dma_wait3A_38 = tpu.memref_squeeze %dma_wait3A_37 : memref<1x250x40xi32, #tpu.memory_space<hbm>> -> memref<250x40xi32, #tpu.memory_space<hbm>>
    tpu.wait_dma2 semaphore(%arg15 : memref<!tpu.dma_semaphore, #tpu.memory_space<semaphore_mem>>) src(%dma_wait3A_38 : memref<250x40xi32, #tpu.memory_space<hbm>>) dst(%arg8 : memref<250x40xi32, #tpu.memory_space<vmem>>)
    %barrier3A = arith.constant 0 : index
    tpu.barrier barrier_id(%barrier3A)
    %dma_start3A_39 = arith.constant 0 : i32
    %dma_start3A_40 = arith.constant 0 : i32
    %dma_start3A_41 = arith.constant 0 : i32
    %dma_start3A_42 = tpu.memref_slice %arg9[%dma_start3A_39, %dma_start3A_40, %dma_start3A_41] : memref<5x40x128xf32, #tpu.memory_space<vmem>> -> memref<1x40x128xf32, #tpu.memory_space<vmem>>
    %dma_start3A_43 = tpu.memref_squeeze %dma_start3A_42 : memref<1x40x128xf32, #tpu.memory_space<vmem>> -> memref<40x128xf32, #tpu.memory_space<vmem>>
    %dma_start3A_44 = arith.constant 0 : i32
    %dma_start3A_45 = tpu.memref_slice %arg7[%dma_start3A_44] : memref<10000xi32, #tpu.memory_space<vmem>> -> memref<40xi32, #tpu.memory_space<vmem>>
    %dma_start3A_46 = arith.constant 0 : i32
    %dma_start3A_47 = arith.constant 0 : i32
    %dma_start3A_48 = tpu.memref_slice %arg2[%dma_start3A_46, %dma_start3A_47] : memref<10000x128xf32, #tpu.memory_space<hbm>> -> memref<10000x128xf32, #tpu.memory_space<hbm>>
    tpu.enqueue_indirect_dma source(%dma_start3A_48 : memref<10000x128xf32, #tpu.memory_space<hbm>>) target(%dma_start3A_43 : memref<40x128xf32, #tpu.memory_space<vmem>>) offsets(%dma_start3A_45 : memref<40xi32, #tpu.memory_space<vmem>>) semaphore(%arg10 : memref<!tpu.dma_semaphore, #tpu.memory_space<semaphore_mem>>)
    %dma_start3A_49 = arith.constant 1 : i32
    %dma_start3A_50 = arith.constant 0 : i32
    %dma_start3A_51 = arith.constant 0 : i32
    %dma_start3A_52 = tpu.memref_slice %arg9[%dma_start3A_49, %dma_start3A_50, %dma_start3A_51] : memref<5x40x128xf32, #tpu.memory_space<vmem>> -> memref<1x40x128xf32, #tpu.memory_space<vmem>>
    %dma_start3A_53 = tpu.memref_squeeze %dma_start3A_52 : memref<1x40x128xf32, #tpu.memory_space<vmem>> -> memref<40x128xf32, #tpu.memory_space<vmem>>
    %dma_start3A_54 = arith.constant 40 : i32
    %dma_start3A_55 = tpu.memref_slice %arg7[%dma_start3A_54] : memref<10000xi32, #tpu.memory_space<vmem>> -> memref<40xi32, #tpu.memory_space<vmem>>
    %dma_start3A_56 = arith.constant 0 : i32
    %dma_start3A_57 = arith.constant 0 : i32
    %dma_start3A_58 = tpu.memref_slice %arg2[%dma_start3A_56, %dma_start3A_57] : memref<10000x128xf32, #tpu.memory_space<hbm>> -> memref<10000x128xf32, #tpu.memory_space<hbm>>
    tpu.enqueue_indirect_dma source(%dma_start3A_58 : memref<10000x128xf32, #tpu.memory_space<hbm>>) target(%dma_start3A_53 : memref<40x128xf32, #tpu.memory_space<vmem>>) offsets(%dma_start3A_55 : memref<40xi32, #tpu.memory_space<vmem>>) semaphore(%arg11 : memref<!tpu.dma_semaphore, #tpu.memory_space<semaphore_mem>>)
    %dma_start3A_59 = arith.constant 2 : i32
    %dma_start3A_60 = arith.constant 0 : i32
    %dma_start3A_61 = arith.constant 0 : i32
    %dma_start3A_62 = tpu.memref_slice %arg9[%dma_start3A_59, %dma_start3A_60, %dma_start3A_61] : memref<5x40x128xf32, #tpu.memory_space<vmem>> -> memref<1x40x128xf32, #tpu.memory_space<vmem>>
    %dma_start3A_63 = tpu.memref_squeeze %dma_start3A_62 : memref<1x40x128xf32, #tpu.memory_space<vmem>> -> memref<40x128xf32, #tpu.memory_space<vmem>>
    %dma_start3A_64 = arith.constant 80 : i32
    %dma_start3A_65 = tpu.memref_slice %arg7[%dma_start3A_64] : memref<10000xi32, #tpu.memory_space<vmem>> -> memref<40xi32, #tpu.memory_space<vmem>>
    %dma_start3A_66 = arith.constant 0 : i32
    %dma_start3A_67 = arith.constant 0 : i32
    %dma_start3A_68 = tpu.memref_slice %arg2[%dma_start3A_66, %dma_start3A_67] : memref<10000x128xf32, #tpu.memory_space<hbm>> -> memref<10000x128xf32, #tpu.memory_space<hbm>>
    tpu.enqueue_indirect_dma source(%dma_start3A_68 : memref<10000x128xf32, #tpu.memory_space<hbm>>) target(%dma_start3A_63 : memref<40x128xf32, #tpu.memory_space<vmem>>) offsets(%dma_start3A_65 : memref<40xi32, #tpu.memory_space<vmem>>) semaphore(%arg12 : memref<!tpu.dma_semaphore, #tpu.memory_space<semaphore_mem>>)
    %dma_start3A_69 = arith.constant 3 : i32
    %dma_start3A_70 = arith.constant 0 : i32
    %dma_start3A_71 = arith.constant 0 : i32
    %dma_start3A_72 = tpu.memref_slice %arg9[%dma_start3A_69, %dma_start3A_70, %dma_start3A_71] : memref<5x40x128xf32, #tpu.memory_space<vmem>> -> memref<1x40x128xf32, #tpu.memory_space<vmem>>
    %dma_start3A_73 = tpu.memref_squeeze %dma_start3A_72 : memref<1x40x128xf32, #tpu.memory_space<vmem>> -> memref<40x128xf32, #tpu.memory_space<vmem>>
    %dma_start3A_74 = arith.constant 120 : i32
    %dma_start3A_75 = tpu.memref_slice %arg7[%dma_start3A_74] : memref<10000xi32, #tpu.memory_space<vmem>> -> memref<40xi32, #tpu.memory_space<vmem>>
    %dma_start3A_76 = arith.constant 0 : i32
    %dma_start3A_77 = arith.constant 0 : i32
    %dma_start3A_78 = tpu.memref_slice %arg2[%dma_start3A_76, %dma_start3A_77] : memref<10000x128xf32, #tpu.memory_space<hbm>> -> memref<10000x128xf32, #tpu.memory_space<hbm>>
    tpu.enqueue_indirect_dma source(%dma_start3A_78 : memref<10000x128xf32, #tpu.memory_space<hbm>>) target(%dma_start3A_73 : memref<40x128xf32, #tpu.memory_space<vmem>>) offsets(%dma_start3A_75 : memref<40xi32, #tpu.memory_space<vmem>>) semaphore(%arg13 : memref<!tpu.dma_semaphore, #tpu.memory_space<semaphore_mem>>)
    %dma_start3A_79 = arith.constant 4 : i32
    %dma_start3A_80 = arith.constant 0 : i32
    %dma_start3A_81 = arith.constant 0 : i32
    %dma_start3A_82 = tpu.memref_slice %arg9[%dma_start3A_79, %dma_start3A_80, %dma_start3A_81] : memref<5x40x128xf32, #tpu.memory_space<vmem>> -> memref<1x40x128xf32, #tpu.memory_space<vmem>>
    %dma_start3A_83 = tpu.memref_squeeze %dma_start3A_82 : memref<1x40x128xf32, #tpu.memory_space<vmem>> -> memref<40x128xf32, #tpu.memory_space<vmem>>
    %dma_start3A_84 = arith.constant 160 : i32
    %dma_start3A_85 = tpu.memref_slice %arg7[%dma_start3A_84] : memref<10000xi32, #tpu.memory_space<vmem>> -> memref<40xi32, #tpu.memory_space<vmem>>
    %dma_start3A_86 = arith.constant 0 : i32
    %dma_start3A_87 = arith.constant 0 : i32
    %dma_start3A_88 = tpu.memref_slice %arg2[%dma_start3A_86, %dma_start3A_87] : memref<10000x128xf32, #tpu.memory_space<hbm>> -> memref<10000x128xf32, #tpu.memory_space<hbm>>
    tpu.enqueue_indirect_dma source(%dma_start3A_88 : memref<10000x128xf32, #tpu.memory_space<hbm>>) target(%dma_start3A_83 : memref<40x128xf32, #tpu.memory_space<vmem>>) offsets(%dma_start3A_85 : memref<40xi32, #tpu.memory_space<vmem>>) semaphore(%arg14 : memref<!tpu.dma_semaphore, #tpu.memory_space<semaphore_mem>>)
    %scan3A_89 = arith.constant 0 : i32
    %scan3A_90 = arith.constant 49 : i32
    %scan3A_91 = arith.addi %scan3A_89, %scan3A_90 : i32
    %scan3A_92 = arith.constant 1 : i32
    scf.for %scan3A_160 = %scan3A_89 to %scan3A_91 step %scan3A_92  : i32 {
      %mul3A_161 = arith.constant 5 : i32
      %mul3A_162 = arith.muli %scan3A_160, %mul3A_161 : i32
      %add3A_163 = arith.constant 0 : i32
      %add3A_164 = arith.addi %add3A_163, %mul3A_162 : i32
      %dma_wait3A_165 = arith.constant 0 : i32
      %dma_wait3A_166 = arith.constant 0 : i32
      %dma_wait3A_167 = arith.constant 0 : i32
      %dma_wait3A_168 = tpu.memref_slice %arg9[%dma_wait3A_165, %dma_wait3A_166, %dma_wait3A_167] : memref<5x40x128xf32, #tpu.memory_space<vmem>> -> memref<1x40x128xf32, #tpu.memory_space<vmem>>
      %dma_wait3A_169 = tpu.memref_squeeze %dma_wait3A_168 : memref<1x40x128xf32, #tpu.memory_space<vmem>> -> memref<40x128xf32, #tpu.memory_space<vmem>>
      %dma_wait3A_170 = arith.constant 0 : i32
      %dma_wait3A_171 = tpu.memref_slice %arg7[%dma_wait3A_170] : memref<10000xi32, #tpu.memory_space<vmem>> -> memref<40xi32, #tpu.memory_space<vmem>>
      %dma_wait3A_172 = arith.constant 0 : i32
      %dma_wait3A_173 = arith.constant 0 : i32
      %dma_wait3A_174 = tpu.memref_slice %arg2[%dma_wait3A_172, %dma_wait3A_173] : memref<10000x128xf32, #tpu.memory_space<hbm>> -> memref<10000x128xf32, #tpu.memory_space<hbm>>
      tpu.wait_indirect_dma semaphore(%arg10 : memref<!tpu.dma_semaphore, #tpu.memory_space<semaphore_mem>>) src(%dma_wait3A_174 : memref<10000x128xf32, #tpu.memory_space<hbm>>) dst(%dma_wait3A_169 : memref<40x128xf32, #tpu.memory_space<vmem>>)
      %add3A_175 = arith.constant 0 : i32
      %add3A_176 = arith.addi %add3A_164, %add3A_175 : i32
      %run_scoped3A_177 = arith.constant 0 : i32
      "tpu.region"() ({
        %run_scoped3A_305 = tpu.sem_alloc : memref<!tpu.dma_semaphore, #tpu.memory_space<semaphore_mem>>
        %dma_start3A_306 = arith.constant 0 : i32
        %dma_start3A_307 = arith.constant 0 : i32
        %dma_start3A_308 = tpu.memref_slice %arg9[%run_scoped3A_177, %dma_start3A_306, %dma_start3A_307] : memref<5x40x128xf32, #tpu.memory_space<vmem>> -> memref<1x40x128xf32, #tpu.memory_space<vmem>>
        %dma_start3A_309 = tpu.memref_squeeze %dma_start3A_308 : memref<1x40x128xf32, #tpu.memory_space<vmem>> -> memref<40x128xf32, #tpu.memory_space<vmem>>
        %dma_start3A_310 = arith.constant 0 : i32
        %dma_start3A_311 = tpu.memref_slice %arg8[%add3A_176, %dma_start3A_310] : memref<250x40xi32, #tpu.memory_space<vmem>> -> memref<1x40xi32, #tpu.memory_space<vmem>>
        %dma_start3A_312 = tpu.memref_squeeze %dma_start3A_311 : memref<1x40xi32, #tpu.memory_space<vmem>> -> memref<40xi32, #tpu.memory_space<vmem>>
        %dma_start3A_313 = arith.constant 0 : i32
        %dma_start3A_314 = arith.constant 0 : i32
        %dma_start3A_315 = tpu.memref_slice %arg6[%dma_start3A_313, %dma_start3A_314] : memref<10000x128xf32, #tpu.memory_space<vmem_shared>> -> memref<10000x128xf32, #tpu.memory_space<vmem_shared>>
        tpu.enqueue_indirect_dma source(%dma_start3A_309 : memref<40x128xf32, #tpu.memory_space<vmem>>) target(%dma_start3A_315 : memref<10000x128xf32, #tpu.memory_space<vmem_shared>>) offsets(%dma_start3A_312 : memref<40xi32, #tpu.memory_space<vmem>>) semaphore(%run_scoped3A_305 : memref<!tpu.dma_semaphore, #tpu.memory_space<semaphore_mem>>) {add = true}
        %dma_wait3A_316 = arith.constant 0 : i32
        %dma_wait3A_317 = arith.constant 0 : i32
        %dma_wait3A_318 = tpu.memref_slice %arg9[%run_scoped3A_177, %dma_wait3A_316, %dma_wait3A_317] : memref<5x40x128xf32, #tpu.memory_space<vmem>> -> memref<1x40x128xf32, #tpu.memory_space<vmem>>
        %dma_wait3A_319 = tpu.memref_squeeze %dma_wait3A_318 : memref<1x40x128xf32, #tpu.memory_space<vmem>> -> memref<40x128xf32, #tpu.memory_space<vmem>>
        %dma_wait3A_320 = arith.constant 0 : i32
        %dma_wait3A_321 = tpu.memref_slice %arg8[%add3A_176, %dma_wait3A_320] : memref<250x40xi32, #tpu.memory_space<vmem>> -> memref<1x40xi32, #tpu.memory_space<vmem>>
        %dma_wait3A_322 = tpu.memref_squeeze %dma_wait3A_321 : memref<1x40xi32, #tpu.memory_space<vmem>> -> memref<40xi32, #tpu.memory_space<vmem>>
        %dma_wait3A_323 = arith.constant 0 : i32
        %dma_wait3A_324 = arith.constant 0 : i32
        %dma_wait3A_325 = tpu.memref_slice %arg6[%dma_wait3A_323, %dma_wait3A_324] : memref<10000x128xf32, #tpu.memory_space<vmem_shared>> -> memref<10000x128xf32, #tpu.memory_space<vmem_shared>>
        tpu.wait_indirect_dma semaphore(%run_scoped3A_305 : memref<!tpu.dma_semaphore, #tpu.memory_space<semaphore_mem>>) src(%dma_wait3A_319 : memref<40x128xf32, #tpu.memory_space<vmem>>) dst(%dma_wait3A_325 : memref<10000x128xf32, #tpu.memory_space<vmem_shared>>)
        tpu.yield
      }) : () -> ()
      %add3A_178 = arith.constant 0 : i32
      %add3A_179 = arith.addi %add3A_164, %add3A_178 : i32
      %add3A_180 = arith.constant 5 : i32
      %add3A_181 = arith.addi %add3A_179, %add3A_180 : i32
      %mul3A_182 = arith.constant 40 : i32
      %mul3A_183 = arith.muli %add3A_181, %mul3A_182 : i32
      %dma_start3A_184 = arith.constant 0 : i32
      %dma_start3A_185 = arith.constant 0 : i32
      %dma_start3A_186 = arith.constant 0 : i32
      %dma_start3A_187 = tpu.memref_slice %arg9[%dma_start3A_184, %dma_start3A_185, %dma_start3A_186] : memref<5x40x128xf32, #tpu.memory_space<vmem>> -> memref<1x40x128xf32, #tpu.memory_space<vmem>>
      %dma_start3A_188 = tpu.memref_squeeze %dma_start3A_187 : memref<1x40x128xf32, #tpu.memory_space<vmem>> -> memref<40x128xf32, #tpu.memory_space<vmem>>
      %dma_start3A_189 = tpu.memref_slice %arg7[%mul3A_183] : memref<10000xi32, #tpu.memory_space<vmem>> -> memref<40xi32, #tpu.memory_space<vmem>>
      %dma_start3A_190 = arith.constant 0 : i32
      %dma_start3A_191 = arith.constant 0 : i32
      %dma_start3A_192 = tpu.memref_slice %arg2[%dma_start3A_190, %dma_start3A_191] : memref<10000x128xf32, #tpu.memory_space<hbm>> -> memref<10000x128xf32, #tpu.memory_space<hbm>>
      tpu.enqueue_indirect_dma source(%dma_start3A_192 : memref<10000x128xf32, #tpu.memory_space<hbm>>) target(%dma_start3A_188 : memref<40x128xf32, #tpu.memory_space<vmem>>) offsets(%dma_start3A_189 : memref<40xi32, #tpu.memory_space<vmem>>) semaphore(%arg10 : memref<!tpu.dma_semaphore, #tpu.memory_space<semaphore_mem>>)
      %dma_wait3A_193 = arith.constant 1 : i32
      %dma_wait3A_194 = arith.constant 0 : i32
      %dma_wait3A_195 = arith.constant 0 : i32
      %dma_wait3A_196 = tpu.memref_slice %arg9[%dma_wait3A_193, %dma_wait3A_194, %dma_wait3A_195] : memref<5x40x128xf32, #tpu.memory_space<vmem>> -> memref<1x40x128xf32, #tpu.memory_space<vmem>>
      %dma_wait3A_197 = tpu.memref_squeeze %dma_wait3A_196 : memref<1x40x128xf32, #tpu.memory_space<vmem>> -> memref<40x128xf32, #tpu.memory_space<vmem>>
      %dma_wait3A_198 = arith.constant 0 : i32
      %dma_wait3A_199 = tpu.memref_slice %arg7[%dma_wait3A_198] : memref<10000xi32, #tpu.memory_space<vmem>> -> memref<40xi32, #tpu.memory_space<vmem>>
      %dma_wait3A_200 = arith.constant 0 : i32
      %dma_wait3A_201 = arith.constant 0 : i32
      %dma_wait3A_202 = tpu.memref_slice %arg2[%dma_wait3A_200, %dma_wait3A_201] : memref<10000x128xf32, #tpu.memory_space<hbm>> -> memref<10000x128xf32, #tpu.memory_space<hbm>>
      tpu.wait_indirect_dma semaphore(%arg11 : memref<!tpu.dma_semaphore, #tpu.memory_space<semaphore_mem>>) src(%dma_wait3A_202 : memref<10000x128xf32, #tpu.memory_space<hbm>>) dst(%dma_wait3A_197 : memref<40x128xf32, #tpu.memory_space<vmem>>)
      %add3A_203 = arith.constant 1 : i32
      %add3A_204 = arith.addi %add3A_164, %add3A_203 : i32
      %run_scoped3A_205 = arith.constant 1 : i32
      "tpu.region"() ({
        %run_scoped3A_305 = tpu.sem_alloc : memref<!tpu.dma_semaphore, #tpu.memory_space<semaphore_mem>>
        %dma_start3A_306 = arith.constant 0 : i32
        %dma_start3A_307 = arith.constant 0 : i32
        %dma_start3A_308 = tpu.memref_slice %arg9[%run_scoped3A_205, %dma_start3A_306, %dma_start3A_307] : memref<5x40x128xf32, #tpu.memory_space<vmem>> -> memref<1x40x128xf32, #tpu.memory_space<vmem>>
        %dma_start3A_309 = tpu.memref_squeeze %dma_start3A_308 : memref<1x40x128xf32, #tpu.memory_space<vmem>> -> memref<40x128xf32, #tpu.memory_space<vmem>>
        %dma_start3A_310 = arith.constant 0 : i32
        %dma_start3A_311 = tpu.memref_slice %arg8[%add3A_204, %dma_start3A_310] : memref<250x40xi32, #tpu.memory_space<vmem>> -> memref<1x40xi32, #tpu.memory_space<vmem>>
        %dma_start3A_312 = tpu.memref_squeeze %dma_start3A_311 : memref<1x40xi32, #tpu.memory_space<vmem>> -> memref<40xi32, #tpu.memory_space<vmem>>
        %dma_start3A_313 = arith.constant 0 : i32
        %dma_start3A_314 = arith.constant 0 : i32
        %dma_start3A_315 = tpu.memref_slice %arg6[%dma_start3A_313, %dma_start3A_314] : memref<10000x128xf32, #tpu.memory_space<vmem_shared>> -> memref<10000x128xf32, #tpu.memory_space<vmem_shared>>
        tpu.enqueue_indirect_dma source(%dma_start3A_309 : memref<40x128xf32, #tpu.memory_space<vmem>>) target(%dma_start3A_315 : memref<10000x128xf32, #tpu.memory_space<vmem_shared>>) offsets(%dma_start3A_312 : memref<40xi32, #tpu.memory_space<vmem>>) semaphore(%run_scoped3A_305 : memref<!tpu.dma_semaphore, #tpu.memory_space<semaphore_mem>>) {add = true}
        %dma_wait3A_316 = arith.constant 0 : i32
        %dma_wait3A_317 = arith.constant 0 : i32
        %dma_wait3A_318 = tpu.memref_slice %arg9[%run_scoped3A_205, %dma_wait3A_316, %dma_wait3A_317] : memref<5x40x128xf32, #tpu.memory_space<vmem>> -> memref<1x40x128xf32, #tpu.memory_space<vmem>>
        %dma_wait3A_319 = tpu.memref_squeeze %dma_wait3A_318 : memref<1x40x128xf32, #tpu.memory_space<vmem>> -> memref<40x128xf32, #tpu.memory_space<vmem>>
        %dma_wait3A_320 = arith.constant 0 : i32
        %dma_wait3A_321 = tpu.memref_slice %arg8[%add3A_204, %dma_wait3A_320] : memref<250x40xi32, #tpu.memory_space<vmem>> -> memref<1x40xi32, #tpu.memory_space<vmem>>
        %dma_wait3A_322 = tpu.memref_squeeze %dma_wait3A_321 : memref<1x40xi32, #tpu.memory_space<vmem>> -> memref<40xi32, #tpu.memory_space<vmem>>
        %dma_wait3A_323 = arith.constant 0 : i32
        %dma_wait3A_324 = arith.constant 0 : i32
        %dma_wait3A_325 = tpu.memref_slice %arg6[%dma_wait3A_323, %dma_wait3A_324] : memref<10000x128xf32, #tpu.memory_space<vmem_shared>> -> memref<10000x128xf32, #tpu.memory_space<vmem_shared>>
        tpu.wait_indirect_dma semaphore(%run_scoped3A_305 : memref<!tpu.dma_semaphore, #tpu.memory_space<semaphore_mem>>) src(%dma_wait3A_319 : memref<40x128xf32, #tpu.memory_space<vmem>>) dst(%dma_wait3A_325 : memref<10000x128xf32, #tpu.memory_space<vmem_shared>>)
        tpu.yield
      }) : () -> ()
      %add3A_206 = arith.constant 1 : i32
      %add3A_207 = arith.addi %add3A_164, %add3A_206 : i32
      %add3A_208 = arith.constant 5 : i32
      %add3A_209 = arith.addi %add3A_207, %add3A_208 : i32
      %mul3A_210 = arith.constant 40 : i32
      %mul3A_211 = arith.muli %add3A_209, %mul3A_210 : i32
      %dma_start3A_212 = arith.constant 1 : i32
      %dma_start3A_213 = arith.constant 0 : i32
      %dma_start3A_214 = arith.constant 0 : i32
      %dma_start3A_215 = tpu.memref_slice %arg9[%dma_start3A_212, %dma_start3A_213, %dma_start3A_214] : memref<5x40x128xf32, #tpu.memory_space<vmem>> -> memref<1x40x128xf32, #tpu.memory_space<vmem>>
      %dma_start3A_216 = tpu.memref_squeeze %dma_start3A_215 : memref<1x40x128xf32, #tpu.memory_space<vmem>> -> memref<40x128xf32, #tpu.memory_space<vmem>>
      %dma_start3A_217 = tpu.memref_slice %arg7[%mul3A_211] : memref<10000xi32, #tpu.memory_space<vmem>> -> memref<40xi32, #tpu.memory_space<vmem>>
      %dma_start3A_218 = arith.constant 0 : i32
      %dma_start3A_219 = arith.constant 0 : i32
      %dma_start3A_220 = tpu.memref_slice %arg2[%dma_start3A_218, %dma_start3A_219] : memref<10000x128xf32, #tpu.memory_space<hbm>> -> memref<10000x128xf32, #tpu.memory_space<hbm>>
      tpu.enqueue_indirect_dma source(%dma_start3A_220 : memref<10000x128xf32, #tpu.memory_space<hbm>>) target(%dma_start3A_216 : memref<40x128xf32, #tpu.memory_space<vmem>>) offsets(%dma_start3A_217 : memref<40xi32, #tpu.memory_space<vmem>>) semaphore(%arg11 : memref<!tpu.dma_semaphore, #tpu.memory_space<semaphore_mem>>)
      %dma_wait3A_221 = arith.constant 2 : i32
      %dma_wait3A_222 = arith.constant 0 : i32
      %dma_wait3A_223 = arith.constant 0 : i32
      %dma_wait3A_224 = tpu.memref_slice %arg9[%dma_wait3A_221, %dma_wait3A_222, %dma_wait3A_223] : memref<5x40x128xf32, #tpu.memory_space<vmem>> -> memref<1x40x128xf32, #tpu.memory_space<vmem>>
      %dma_wait3A_225 = tpu.memref_squeeze %dma_wait3A_224 : memref<1x40x128xf32, #tpu.memory_space<vmem>> -> memref<40x128xf32, #tpu.memory_space<vmem>>
      %dma_wait3A_226 = arith.constant 0 : i32
      %dma_wait3A_227 = tpu.memref_slice %arg7[%dma_wait3A_226] : memref<10000xi32, #tpu.memory_space<vmem>> -> memref<40xi32, #tpu.memory_space<vmem>>
      %dma_wait3A_228 = arith.constant 0 : i32
      %dma_wait3A_229 = arith.constant 0 : i32
      %dma_wait3A_230 = tpu.memref_slice %arg2[%dma_wait3A_228, %dma_wait3A_229] : memref<10000x128xf32, #tpu.memory_space<hbm>> -> memref<10000x128xf32, #tpu.memory_space<hbm>>
      tpu.wait_indirect_dma semaphore(%arg12 : memref<!tpu.dma_semaphore, #tpu.memory_space<semaphore_mem>>) src(%dma_wait3A_230 : memref<10000x128xf32, #tpu.memory_space<hbm>>) dst(%dma_wait3A_225 : memref<40x128xf32, #tpu.memory_space<vmem>>)
      %add3A_231 = arith.constant 2 : i32
      %add3A_232 = arith.addi %add3A_164, %add3A_231 : i32
      %run_scoped3A_233 = arith.constant 2 : i32
      "tpu.region"() ({
        %run_scoped3A_305 = tpu.sem_alloc : memref<!tpu.dma_semaphore, #tpu.memory_space<semaphore_mem>>
        %dma_start3A_306 = arith.constant 0 : i32
        %dma_start3A_307 = arith.constant 0 : i32
        %dma_start3A_308 = tpu.memref_slice %arg9[%run_scoped3A_233, %dma_start3A_306, %dma_start3A_307] : memref<5x40x128xf32, #tpu.memory_space<vmem>> -> memref<1x40x128xf32, #tpu.memory_space<vmem>>
        %dma_start3A_309 = tpu.memref_squeeze %dma_start3A_308 : memref<1x40x128xf32, #tpu.memory_space<vmem>> -> memref<40x128xf32, #tpu.memory_space<vmem>>
        %dma_start3A_310 = arith.constant 0 : i32
        %dma_start3A_311 = tpu.memref_slice %arg8[%add3A_232, %dma_start3A_310] : memref<250x40xi32, #tpu.memory_space<vmem>> -> memref<1x40xi32, #tpu.memory_space<vmem>>
        %dma_start3A_312 = tpu.memref_squeeze %dma_start3A_311 : memref<1x40xi32, #tpu.memory_space<vmem>> -> memref<40xi32, #tpu.memory_space<vmem>>
        %dma_start3A_313 = arith.constant 0 : i32
        %dma_start3A_314 = arith.constant 0 : i32
        %dma_start3A_315 = tpu.memref_slice %arg6[%dma_start3A_313, %dma_start3A_314] : memref<10000x128xf32, #tpu.memory_space<vmem_shared>> -> memref<10000x128xf32, #tpu.memory_space<vmem_shared>>
        tpu.enqueue_indirect_dma source(%dma_start3A_309 : memref<40x128xf32, #tpu.memory_space<vmem>>) target(%dma_start3A_315 : memref<10000x128xf32, #tpu.memory_space<vmem_shared>>) offsets(%dma_start3A_312 : memref<40xi32, #tpu.memory_space<vmem>>) semaphore(%run_scoped3A_305 : memref<!tpu.dma_semaphore, #tpu.memory_space<semaphore_mem>>) {add = true}
        %dma_wait3A_316 = arith.constant 0 : i32
        %dma_wait3A_317 = arith.constant 0 : i32
        %dma_wait3A_318 = tpu.memref_slice %arg9[%run_scoped3A_233, %dma_wait3A_316, %dma_wait3A_317] : memref<5x40x128xf32, #tpu.memory_space<vmem>> -> memref<1x40x128xf32, #tpu.memory_space<vmem>>
        %dma_wait3A_319 = tpu.memref_squeeze %dma_wait3A_318 : memref<1x40x128xf32, #tpu.memory_space<vmem>> -> memref<40x128xf32, #tpu.memory_space<vmem>>
        %dma_wait3A_320 = arith.constant 0 : i32
        %dma_wait3A_321 = tpu.memref_slice %arg8[%add3A_232, %dma_wait3A_320] : memref<250x40xi32, #tpu.memory_space<vmem>> -> memref<1x40xi32, #tpu.memory_space<vmem>>
        %dma_wait3A_322 = tpu.memref_squeeze %dma_wait3A_321 : memref<1x40xi32, #tpu.memory_space<vmem>> -> memref<40xi32, #tpu.memory_space<vmem>>
        %dma_wait3A_323 = arith.constant 0 : i32
        %dma_wait3A_324 = arith.constant 0 : i32
        %dma_wait3A_325 = tpu.memref_slice %arg6[%dma_wait3A_323, %dma_wait3A_324] : memref<10000x128xf32, #tpu.memory_space<vmem_shared>> -> memref<10000x128xf32, #tpu.memory_space<vmem_shared>>
        tpu.wait_indirect_dma semaphore(%run_scoped3A_305 : memref<!tpu.dma_semaphore, #tpu.memory_space<semaphore_mem>>) src(%dma_wait3A_319 : memref<40x128xf32, #tpu.memory_space<vmem>>) dst(%dma_wait3A_325 : memref<10000x128xf32, #tpu.memory_space<vmem_shared>>)
        tpu.yield
      }) : () -> ()
      %add3A_234 = arith.constant 2 : i32
      %add3A_235 = arith.addi %add3A_164, %add3A_234 : i32
      %add3A_236 = arith.constant 5 : i32
      %add3A_237 = arith.addi %add3A_235, %add3A_236 : i32
      %mul3A_238 = arith.constant 40 : i32
      %mul3A_239 = arith.muli %add3A_237, %mul3A_238 : i32
      %dma_start3A_240 = arith.constant 2 : i32
      %dma_start3A_241 = arith.constant 0 : i32
      %dma_start3A_242 = arith.constant 0 : i32
      %dma_start3A_243 = tpu.memref_slice %arg9[%dma_start3A_240, %dma_start3A_241, %dma_start3A_242] : memref<5x40x128xf32, #tpu.memory_space<vmem>> -> memref<1x40x128xf32, #tpu.memory_space<vmem>>
      %dma_start3A_244 = tpu.memref_squeeze %dma_start3A_243 : memref<1x40x128xf32, #tpu.memory_space<vmem>> -> memref<40x128xf32, #tpu.memory_space<vmem>>
      %dma_start3A_245 = tpu.memref_slice %arg7[%mul3A_239] : memref<10000xi32, #tpu.memory_space<vmem>> -> memref<40xi32, #tpu.memory_space<vmem>>
      %dma_start3A_246 = arith.constant 0 : i32
      %dma_start3A_247 = arith.constant 0 : i32
      %dma_start3A_248 = tpu.memref_slice %arg2[%dma_start3A_246, %dma_start3A_247] : memref<10000x128xf32, #tpu.memory_space<hbm>> -> memref<10000x128xf32, #tpu.memory_space<hbm>>
      tpu.enqueue_indirect_dma source(%dma_start3A_248 : memref<10000x128xf32, #tpu.memory_space<hbm>>) target(%dma_start3A_244 : memref<40x128xf32, #tpu.memory_space<vmem>>) offsets(%dma_start3A_245 : memref<40xi32, #tpu.memory_space<vmem>>) semaphore(%arg12 : memref<!tpu.dma_semaphore, #tpu.memory_space<semaphore_mem>>)
      %dma_wait3A_249 = arith.constant 3 : i32
      %dma_wait3A_250 = arith.constant 0 : i32
      %dma_wait3A_251 = arith.constant 0 : i32
      %dma_wait3A_252 = tpu.memref_slice %arg9[%dma_wait3A_249, %dma_wait3A_250, %dma_wait3A_251] : memref<5x40x128xf32, #tpu.memory_space<vmem>> -> memref<1x40x128xf32, #tpu.memory_space<vmem>>
      %dma_wait3A_253 = tpu.memref_squeeze %dma_wait3A_252 : memref<1x40x128xf32, #tpu.memory_space<vmem>> -> memref<40x128xf32, #tpu.memory_space<vmem>>
      %dma_wait3A_254 = arith.constant 0 : i32
      %dma_wait3A_255 = tpu.memref_slice %arg7[%dma_wait3A_254] : memref<10000xi32, #tpu.memory_space<vmem>> -> memref<40xi32, #tpu.memory_space<vmem>>
      %dma_wait3A_256 = arith.constant 0 : i32
      %dma_wait3A_257 = arith.constant 0 : i32
      %dma_wait3A_258 = tpu.memref_slice %arg2[%dma_wait3A_256, %dma_wait3A_257] : memref<10000x128xf32, #tpu.memory_space<hbm>> -> memref<10000x128xf32, #tpu.memory_space<hbm>>
      tpu.wait_indirect_dma semaphore(%arg13 : memref<!tpu.dma_semaphore, #tpu.memory_space<semaphore_mem>>) src(%dma_wait3A_258 : memref<10000x128xf32, #tpu.memory_space<hbm>>) dst(%dma_wait3A_253 : memref<40x128xf32, #tpu.memory_space<vmem>>)
      %add3A_259 = arith.constant 3 : i32
      %add3A_260 = arith.addi %add3A_164, %add3A_259 : i32
      %run_scoped3A_261 = arith.constant 3 : i32
      "tpu.region"() ({
        %run_scoped3A_305 = tpu.sem_alloc : memref<!tpu.dma_semaphore, #tpu.memory_space<semaphore_mem>>
        %dma_start3A_306 = arith.constant 0 : i32
        %dma_start3A_307 = arith.constant 0 : i32
        %dma_start3A_308 = tpu.memref_slice %arg9[%run_scoped3A_261, %dma_start3A_306, %dma_start3A_307] : memref<5x40x128xf32, #tpu.memory_space<vmem>> -> memref<1x40x128xf32, #tpu.memory_space<vmem>>
        %dma_start3A_309 = tpu.memref_squeeze %dma_start3A_308 : memref<1x40x128xf32, #tpu.memory_space<vmem>> -> memref<40x128xf32, #tpu.memory_space<vmem>>
        %dma_start3A_310 = arith.constant 0 : i32
        %dma_start3A_311 = tpu.memref_slice %arg8[%add3A_260, %dma_start3A_310] : memref<250x40xi32, #tpu.memory_space<vmem>> -> memref<1x40xi32, #tpu.memory_space<vmem>>
        %dma_start3A_312 = tpu.memref_squeeze %dma_start3A_311 : memref<1x40xi32, #tpu.memory_space<vmem>> -> memref<40xi32, #tpu.memory_space<vmem>>
        %dma_start3A_313 = arith.constant 0 : i32
        %dma_start3A_314 = arith.constant 0 : i32
        %dma_start3A_315 = tpu.memref_slice %arg6[%dma_start3A_313, %dma_start3A_314] : memref<10000x128xf32, #tpu.memory_space<vmem_shared>> -> memref<10000x128xf32, #tpu.memory_space<vmem_shared>>
        tpu.enqueue_indirect_dma source(%dma_start3A_309 : memref<40x128xf32, #tpu.memory_space<vmem>>) target(%dma_start3A_315 : memref<10000x128xf32, #tpu.memory_space<vmem_shared>>) offsets(%dma_start3A_312 : memref<40xi32, #tpu.memory_space<vmem>>) semaphore(%run_scoped3A_305 : memref<!tpu.dma_semaphore, #tpu.memory_space<semaphore_mem>>) {add = true}
        %dma_wait3A_316 = arith.constant 0 : i32
        %dma_wait3A_317 = arith.constant 0 : i32
        %dma_wait3A_318 = tpu.memref_slice %arg9[%run_scoped3A_261, %dma_wait3A_316, %dma_wait3A_317] : memref<5x40x128xf32, #tpu.memory_space<vmem>> -> memref<1x40x128xf32, #tpu.memory_space<vmem>>
        %dma_wait3A_319 = tpu.memref_squeeze %dma_wait3A_318 : memref<1x40x128xf32, #tpu.memory_space<vmem>> -> memref<40x128xf32, #tpu.memory_space<vmem>>
        %dma_wait3A_320 = arith.constant 0 : i32
        %dma_wait3A_321 = tpu.memref_slice %arg8[%add3A_260, %dma_wait3A_320] : memref<250x40xi32, #tpu.memory_space<vmem>> -> memref<1x40xi32, #tpu.memory_space<vmem>>
        %dma_wait3A_322 = tpu.memref_squeeze %dma_wait3A_321 : memref<1x40xi32, #tpu.memory_space<vmem>> -> memref<40xi32, #tpu.memory_space<vmem>>
        %dma_wait3A_323 = arith.constant 0 : i32
        %dma_wait3A_324 = arith.constant 0 : i32
        %dma_wait3A_325 = tpu.memref_slice %arg6[%dma_wait3A_323, %dma_wait3A_324] : memref<10000x128xf32, #tpu.memory_space<vmem_shared>> -> memref<10000x128xf32, #tpu.memory_space<vmem_shared>>
        tpu.wait_indirect_dma semaphore(%run_scoped3A_305 : memref<!tpu.dma_semaphore, #tpu.memory_space<semaphore_mem>>) src(%dma_wait3A_319 : memref<40x128xf32, #tpu.memory_space<vmem>>) dst(%dma_wait3A_325 : memref<10000x128xf32, #tpu.memory_space<vmem_shared>>)
        tpu.yield
      }) : () -> ()
      %add3A_262 = arith.constant 3 : i32
      %add3A_263 = arith.addi %add3A_164, %add3A_262 : i32
      %add3A_264 = arith.constant 5 : i32
      %add3A_265 = arith.addi %add3A_263, %add3A_264 : i32
      %mul3A_266 = arith.constant 40 : i32
      %mul3A_267 = arith.muli %add3A_265, %mul3A_266 : i32
      %dma_start3A_268 = arith.constant 3 : i32
      %dma_start3A_269 = arith.constant 0 : i32
      %dma_start3A_270 = arith.constant 0 : i32
      %dma_start3A_271 = tpu.memref_slice %arg9[%dma_start3A_268, %dma_start3A_269, %dma_start3A_270] : memref<5x40x128xf32, #tpu.memory_space<vmem>> -> memref<1x40x128xf32, #tpu.memory_space<vmem>>
      %dma_start3A_272 = tpu.memref_squeeze %dma_start3A_271 : memref<1x40x128xf32, #tpu.memory_space<vmem>> -> memref<40x128xf32, #tpu.memory_space<vmem>>
      %dma_start3A_273 = tpu.memref_slice %arg7[%mul3A_267] : memref<10000xi32, #tpu.memory_space<vmem>> -> memref<40xi32, #tpu.memory_space<vmem>>
      %dma_start3A_274 = arith.constant 0 : i32
      %dma_start3A_275 = arith.constant 0 : i32
      %dma_start3A_276 = tpu.memref_slice %arg2[%dma_start3A_274, %dma_start3A_275] : memref<10000x128xf32, #tpu.memory_space<hbm>> -> memref<10000x128xf32, #tpu.memory_space<hbm>>
      tpu.enqueue_indirect_dma source(%dma_start3A_276 : memref<10000x128xf32, #tpu.memory_space<hbm>>) target(%dma_start3A_272 : memref<40x128xf32, #tpu.memory_space<vmem>>) offsets(%dma_start3A_273 : memref<40xi32, #tpu.memory_space<vmem>>) semaphore(%arg13 : memref<!tpu.dma_semaphore, #tpu.memory_space<semaphore_mem>>)
      %dma_wait3A_277 = arith.constant 4 : i32
      %dma_wait3A_278 = arith.constant 0 : i32
      %dma_wait3A_279 = arith.constant 0 : i32
      %dma_wait3A_280 = tpu.memref_slice %arg9[%dma_wait3A_277, %dma_wait3A_278, %dma_wait3A_279] : memref<5x40x128xf32, #tpu.memory_space<vmem>> -> memref<1x40x128xf32, #tpu.memory_space<vmem>>
      %dma_wait3A_281 = tpu.memref_squeeze %dma_wait3A_280 : memref<1x40x128xf32, #tpu.memory_space<vmem>> -> memref<40x128xf32, #tpu.memory_space<vmem>>
      %dma_wait3A_282 = arith.constant 0 : i32
      %dma_wait3A_283 = tpu.memref_slice %arg7[%dma_wait3A_282] : memref<10000xi32, #tpu.memory_space<vmem>> -> memref<40xi32, #tpu.memory_space<vmem>>
      %dma_wait3A_284 = arith.constant 0 : i32
      %dma_wait3A_285 = arith.constant 0 : i32
      %dma_wait3A_286 = tpu.memref_slice %arg2[%dma_wait3A_284, %dma_wait3A_285] : memref<10000x128xf32, #tpu.memory_space<hbm>> -> memref<10000x128xf32, #tpu.memory_space<hbm>>
      tpu.wait_indirect_dma semaphore(%arg14 : memref<!tpu.dma_semaphore, #tpu.memory_space<semaphore_mem>>) src(%dma_wait3A_286 : memref<10000x128xf32, #tpu.memory_space<hbm>>) dst(%dma_wait3A_281 : memref<40x128xf32, #tpu.memory_space<vmem>>)
      %add3A_287 = arith.constant 4 : i32
      %add3A_288 = arith.addi %add3A_164, %add3A_287 : i32
      %run_scoped3A_289 = arith.constant 4 : i32
      "tpu.region"() ({
        %run_scoped3A_305 = tpu.sem_alloc : memref<!tpu.dma_semaphore, #tpu.memory_space<semaphore_mem>>
        %dma_start3A_306 = arith.constant 0 : i32
        %dma_start3A_307 = arith.constant 0 : i32
        %dma_start3A_308 = tpu.memref_slice %arg9[%run_scoped3A_289, %dma_start3A_306, %dma_start3A_307] : memref<5x40x128xf32, #tpu.memory_space<vmem>> -> memref<1x40x128xf32, #tpu.memory_space<vmem>>
        %dma_start3A_309 = tpu.memref_squeeze %dma_start3A_308 : memref<1x40x128xf32, #tpu.memory_space<vmem>> -> memref<40x128xf32, #tpu.memory_space<vmem>>
        %dma_start3A_310 = arith.constant 0 : i32
        %dma_start3A_311 = tpu.memref_slice %arg8[%add3A_288, %dma_start3A_310] : memref<250x40xi32, #tpu.memory_space<vmem>> -> memref<1x40xi32, #tpu.memory_space<vmem>>
        %dma_start3A_312 = tpu.memref_squeeze %dma_start3A_311 : memref<1x40xi32, #tpu.memory_space<vmem>> -> memref<40xi32, #tpu.memory_space<vmem>>
        %dma_start3A_313 = arith.constant 0 : i32
        %dma_start3A_314 = arith.constant 0 : i32
        %dma_start3A_315 = tpu.memref_slice %arg6[%dma_start3A_313, %dma_start3A_314] : memref<10000x128xf32, #tpu.memory_space<vmem_shared>> -> memref<10000x128xf32, #tpu.memory_space<vmem_shared>>
        tpu.enqueue_indirect_dma source(%dma_start3A_309 : memref<40x128xf32, #tpu.memory_space<vmem>>) target(%dma_start3A_315 : memref<10000x128xf32, #tpu.memory_space<vmem_shared>>) offsets(%dma_start3A_312 : memref<40xi32, #tpu.memory_space<vmem>>) semaphore(%run_scoped3A_305 : memref<!tpu.dma_semaphore, #tpu.memory_space<semaphore_mem>>) {add = true}
        %dma_wait3A_316 = arith.constant 0 : i32
        %dma_wait3A_317 = arith.constant 0 : i32
        %dma_wait3A_318 = tpu.memref_slice %arg9[%run_scoped3A_289, %dma_wait3A_316, %dma_wait3A_317] : memref<5x40x128xf32, #tpu.memory_space<vmem>> -> memref<1x40x128xf32, #tpu.memory_space<vmem>>
        %dma_wait3A_319 = tpu.memref_squeeze %dma_wait3A_318 : memref<1x40x128xf32, #tpu.memory_space<vmem>> -> memref<40x128xf32, #tpu.memory_space<vmem>>
        %dma_wait3A_320 = arith.constant 0 : i32
        %dma_wait3A_321 = tpu.memref_slice %arg8[%add3A_288, %dma_wait3A_320] : memref<250x40xi32, #tpu.memory_space<vmem>> -> memref<1x40xi32, #tpu.memory_space<vmem>>
        %dma_wait3A_322 = tpu.memref_squeeze %dma_wait3A_321 : memref<1x40xi32, #tpu.memory_space<vmem>> -> memref<40xi32, #tpu.memory_space<vmem>>
        %dma_wait3A_323 = arith.constant 0 : i32
        %dma_wait3A_324 = arith.constant 0 : i32
        %dma_wait3A_325 = tpu.memref_slice %arg6[%dma_wait3A_323, %dma_wait3A_324] : memref<10000x128xf32, #tpu.memory_space<vmem_shared>> -> memref<10000x128xf32, #tpu.memory_space<vmem_shared>>
        tpu.wait_indirect_dma semaphore(%run_scoped3A_305 : memref<!tpu.dma_semaphore, #tpu.memory_space<semaphore_mem>>) src(%dma_wait3A_319 : memref<40x128xf32, #tpu.memory_space<vmem>>) dst(%dma_wait3A_325 : memref<10000x128xf32, #tpu.memory_space<vmem_shared>>)
        tpu.yield
      }) : () -> ()
      %add3A_290 = arith.constant 4 : i32
      %add3A_291 = arith.addi %add3A_164, %add3A_290 : i32
      %add3A_292 = arith.constant 5 : i32
      %add3A_293 = arith.addi %add3A_291, %add3A_292 : i32
      %mul3A_294 = arith.constant 40 : i32
      %mul3A_295 = arith.muli %add3A_293, %mul3A_294 : i32
      %dma_start3A_296 = arith.constant 4 : i32
      %dma_start3A_297 = arith.constant 0 : i32
      %dma_start3A_298 = arith.constant 0 : i32
      %dma_start3A_299 = tpu.memref_slice %arg9[%dma_start3A_296, %dma_start3A_297, %dma_start3A_298] : memref<5x40x128xf32, #tpu.memory_space<vmem>> -> memref<1x40x128xf32, #tpu.memory_space<vmem>>
      %dma_start3A_300 = tpu.memref_squeeze %dma_start3A_299 : memref<1x40x128xf32, #tpu.memory_space<vmem>> -> memref<40x128xf32, #tpu.memory_space<vmem>>
      %dma_start3A_301 = tpu.memref_slice %arg7[%mul3A_295] : memref<10000xi32, #tpu.memory_space<vmem>> -> memref<40xi32, #tpu.memory_space<vmem>>
      %dma_start3A_302 = arith.constant 0 : i32
      %dma_start3A_303 = arith.constant 0 : i32
      %dma_start3A_304 = tpu.memref_slice %arg2[%dma_start3A_302, %dma_start3A_303] : memref<10000x128xf32, #tpu.memory_space<hbm>> -> memref<10000x128xf32, #tpu.memory_space<hbm>>
      tpu.enqueue_indirect_dma source(%dma_start3A_304 : memref<10000x128xf32, #tpu.memory_space<hbm>>) target(%dma_start3A_300 : memref<40x128xf32, #tpu.memory_space<vmem>>) offsets(%dma_start3A_301 : memref<40xi32, #tpu.memory_space<vmem>>) semaphore(%arg14 : memref<!tpu.dma_semaphore, #tpu.memory_space<semaphore_mem>>)
    }
    %scan3A_93 = arith.constant 49 : i32
    %dma_wait3A_94 = arith.constant 0 : i32
    %dma_wait3A_95 = arith.constant 0 : i32
    %dma_wait3A_96 = arith.constant 0 : i32
    %dma_wait3A_97 = tpu.memref_slice %arg9[%dma_wait3A_94, %dma_wait3A_95, %dma_wait3A_96] : memref<5x40x128xf32, #tpu.memory_space<vmem>> -> memref<1x40x128xf32, #tpu.memory_space<vmem>>
    %dma_wait3A_98 = tpu.memref_squeeze %dma_wait3A_97 : memref<1x40x128xf32, #tpu.memory_space<vmem>> -> memref<40x128xf32, #tpu.memory_space<vmem>>
    %dma_wait3A_99 = arith.constant 0 : i32
    %dma_wait3A_100 = tpu.memref_slice %arg7[%dma_wait3A_99] : memref<10000xi32, #tpu.memory_space<vmem>> -> memref<40xi32, #tpu.memory_space<vmem>>
    %dma_wait3A_101 = arith.constant 0 : i32
    %dma_wait3A_102 = arith.constant 0 : i32
    %dma_wait3A_103 = tpu.memref_slice %arg2[%dma_wait3A_101, %dma_wait3A_102] : memref<10000x128xf32, #tpu.memory_space<hbm>> -> memref<10000x128xf32, #tpu.memory_space<hbm>>
    tpu.wait_indirect_dma semaphore(%arg10 : memref<!tpu.dma_semaphore, #tpu.memory_space<semaphore_mem>>) src(%dma_wait3A_103 : memref<10000x128xf32, #tpu.memory_space<hbm>>) dst(%dma_wait3A_98 : memref<40x128xf32, #tpu.memory_space<vmem>>)
    %run_scoped3A_104 = arith.constant 0 : i32
    %run_scoped3A_105 = arith.constant 245 : i32
    "tpu.region"() ({
      %run_scoped3A_160 = tpu.sem_alloc : memref<!tpu.dma_semaphore, #tpu.memory_space<semaphore_mem>>
      %dma_start3A_161 = arith.constant 0 : i32
      %dma_start3A_162 = arith.constant 0 : i32
      %dma_start3A_163 = tpu.memref_slice %arg9[%run_scoped3A_104, %dma_start3A_161, %dma_start3A_162] : memref<5x40x128xf32, #tpu.memory_space<vmem>> -> memref<1x40x128xf32, #tpu.memory_space<vmem>>
      %dma_start3A_164 = tpu.memref_squeeze %dma_start3A_163 : memref<1x40x128xf32, #tpu.memory_space<vmem>> -> memref<40x128xf32, #tpu.memory_space<vmem>>
      %dma_start3A_165 = arith.constant 0 : i32
      %dma_start3A_166 = tpu.memref_slice %arg8[%run_scoped3A_105, %dma_start3A_165] : memref<250x40xi32, #tpu.memory_space<vmem>> -> memref<1x40xi32, #tpu.memory_space<vmem>>
      %dma_start3A_167 = tpu.memref_squeeze %dma_start3A_166 : memref<1x40xi32, #tpu.memory_space<vmem>> -> memref<40xi32, #tpu.memory_space<vmem>>
      %dma_start3A_168 = arith.constant 0 : i32
      %dma_start3A_169 = arith.constant 0 : i32
      %dma_start3A_170 = tpu.memref_slice %arg6[%dma_start3A_168, %dma_start3A_169] : memref<10000x128xf32, #tpu.memory_space<vmem_shared>> -> memref<10000x128xf32, #tpu.memory_space<vmem_shared>>
      tpu.enqueue_indirect_dma source(%dma_start3A_164 : memref<40x128xf32, #tpu.memory_space<vmem>>) target(%dma_start3A_170 : memref<10000x128xf32, #tpu.memory_space<vmem_shared>>) offsets(%dma_start3A_167 : memref<40xi32, #tpu.memory_space<vmem>>) semaphore(%run_scoped3A_160 : memref<!tpu.dma_semaphore, #tpu.memory_space<semaphore_mem>>) {add = true}
      %dma_wait3A_171 = arith.constant 0 : i32
      %dma_wait3A_172 = arith.constant 0 : i32
      %dma_wait3A_173 = tpu.memref_slice %arg9[%run_scoped3A_104, %dma_wait3A_171, %dma_wait3A_172] : memref<5x40x128xf32, #tpu.memory_space<vmem>> -> memref<1x40x128xf32, #tpu.memory_space<vmem>>
      %dma_wait3A_174 = tpu.memref_squeeze %dma_wait3A_173 : memref<1x40x128xf32, #tpu.memory_space<vmem>> -> memref<40x128xf32, #tpu.memory_space<vmem>>
      %dma_wait3A_175 = arith.constant 0 : i32
      %dma_wait3A_176 = tpu.memref_slice %arg8[%run_scoped3A_105, %dma_wait3A_175] : memref<250x40xi32, #tpu.memory_space<vmem>> -> memref<1x40xi32, #tpu.memory_space<vmem>>
      %dma_wait3A_177 = tpu.memref_squeeze %dma_wait3A_176 : memref<1x40xi32, #tpu.memory_space<vmem>> -> memref<40xi32, #tpu.memory_space<vmem>>
      %dma_wait3A_178 = arith.constant 0 : i32
      %dma_wait3A_179 = arith.constant 0 : i32
      %dma_wait3A_180 = tpu.memref_slice %arg6[%dma_wait3A_178, %dma_wait3A_179] : memref<10000x128xf32, #tpu.memory_space<vmem_shared>> -> memref<10000x128xf32, #tpu.memory_space<vmem_shared>>
      tpu.wait_indirect_dma semaphore(%run_scoped3A_160 : memref<!tpu.dma_semaphore, #tpu.memory_space<semaphore_mem>>) src(%dma_wait3A_174 : memref<40x128xf32, #tpu.memory_space<vmem>>) dst(%dma_wait3A_180 : memref<10000x128xf32, #tpu.memory_space<vmem_shared>>)
      tpu.yield
    }) : () -> ()
    %dma_wait3A_106 = arith.constant 1 : i32
    %dma_wait3A_107 = arith.constant 0 : i32
    %dma_wait3A_108 = arith.constant 0 : i32
    %dma_wait3A_109 = tpu.memref_slice %arg9[%dma_wait3A_106, %dma_wait3A_107, %dma_wait3A_108] : memref<5x40x128xf32, #tpu.memory_space<vmem>> -> memref<1x40x128xf32, #tpu.memory_space<vmem>>
    %dma_wait3A_110 = tpu.memref_squeeze %dma_wait3A_109 : memref<1x40x128xf32, #tpu.memory_space<vmem>> -> memref<40x128xf32, #tpu.memory_space<vmem>>
    %dma_wait3A_111 = arith.constant 0 : i32
    %dma_wait3A_112 = tpu.memref_slice %arg7[%dma_wait3A_111] : memref<10000xi32, #tpu.memory_space<vmem>> -> memref<40xi32, #tpu.memory_space<vmem>>
    %dma_wait3A_113 = arith.constant 0 : i32
    %dma_wait3A_114 = arith.constant 0 : i32
    %dma_wait3A_115 = tpu.memref_slice %arg2[%dma_wait3A_113, %dma_wait3A_114] : memref<10000x128xf32, #tpu.memory_space<hbm>> -> memref<10000x128xf32, #tpu.memory_space<hbm>>
    tpu.wait_indirect_dma semaphore(%arg11 : memref<!tpu.dma_semaphore, #tpu.memory_space<semaphore_mem>>) src(%dma_wait3A_115 : memref<10000x128xf32, #tpu.memory_space<hbm>>) dst(%dma_wait3A_110 : memref<40x128xf32, #tpu.memory_space<vmem>>)
    %run_scoped3A_116 = arith.constant 1 : i32
    %run_scoped3A_117 = arith.constant 246 : i32
    "tpu.region"() ({
      %run_scoped3A_160 = tpu.sem_alloc : memref<!tpu.dma_semaphore, #tpu.memory_space<semaphore_mem>>
      %dma_start3A_161 = arith.constant 0 : i32
      %dma_start3A_162 = arith.constant 0 : i32
      %dma_start3A_163 = tpu.memref_slice %arg9[%run_scoped3A_116, %dma_start3A_161, %dma_start3A_162] : memref<5x40x128xf32, #tpu.memory_space<vmem>> -> memref<1x40x128xf32, #tpu.memory_space<vmem>>
      %dma_start3A_164 = tpu.memref_squeeze %dma_start3A_163 : memref<1x40x128xf32, #tpu.memory_space<vmem>> -> memref<40x128xf32, #tpu.memory_space<vmem>>
      %dma_start3A_165 = arith.constant 0 : i32
      %dma_start3A_166 = tpu.memref_slice %arg8[%run_scoped3A_117, %dma_start3A_165] : memref<250x40xi32, #tpu.memory_space<vmem>> -> memref<1x40xi32, #tpu.memory_space<vmem>>
      %dma_start3A_167 = tpu.memref_squeeze %dma_start3A_166 : memref<1x40xi32, #tpu.memory_space<vmem>> -> memref<40xi32, #tpu.memory_space<vmem>>
      %dma_start3A_168 = arith.constant 0 : i32
      %dma_start3A_169 = arith.constant 0 : i32
      %dma_start3A_170 = tpu.memref_slice %arg6[%dma_start3A_168, %dma_start3A_169] : memref<10000x128xf32, #tpu.memory_space<vmem_shared>> -> memref<10000x128xf32, #tpu.memory_space<vmem_shared>>
      tpu.enqueue_indirect_dma source(%dma_start3A_164 : memref<40x128xf32, #tpu.memory_space<vmem>>) target(%dma_start3A_170 : memref<10000x128xf32, #tpu.memory_space<vmem_shared>>) offsets(%dma_start3A_167 : memref<40xi32, #tpu.memory_space<vmem>>) semaphore(%run_scoped3A_160 : memref<!tpu.dma_semaphore, #tpu.memory_space<semaphore_mem>>) {add = true}
      %dma_wait3A_171 = arith.constant 0 : i32
      %dma_wait3A_172 = arith.constant 0 : i32
      %dma_wait3A_173 = tpu.memref_slice %arg9[%run_scoped3A_116, %dma_wait3A_171, %dma_wait3A_172] : memref<5x40x128xf32, #tpu.memory_space<vmem>> -> memref<1x40x128xf32, #tpu.memory_space<vmem>>
      %dma_wait3A_174 = tpu.memref_squeeze %dma_wait3A_173 : memref<1x40x128xf32, #tpu.memory_space<vmem>> -> memref<40x128xf32, #tpu.memory_space<vmem>>
      %dma_wait3A_175 = arith.constant 0 : i32
      %dma_wait3A_176 = tpu.memref_slice %arg8[%run_scoped3A_117, %dma_wait3A_175] : memref<250x40xi32, #tpu.memory_space<vmem>> -> memref<1x40xi32, #tpu.memory_space<vmem>>
      %dma_wait3A_177 = tpu.memref_squeeze %dma_wait3A_176 : memref<1x40xi32, #tpu.memory_space<vmem>> -> memref<40xi32, #tpu.memory_space<vmem>>
      %dma_wait3A_178 = arith.constant 0 : i32
      %dma_wait3A_179 = arith.constant 0 : i32
      %dma_wait3A_180 = tpu.memref_slice %arg6[%dma_wait3A_178, %dma_wait3A_179] : memref<10000x128xf32, #tpu.memory_space<vmem_shared>> -> memref<10000x128xf32, #tpu.memory_space<vmem_shared>>
      tpu.wait_indirect_dma semaphore(%run_scoped3A_160 : memref<!tpu.dma_semaphore, #tpu.memory_space<semaphore_mem>>) src(%dma_wait3A_174 : memref<40x128xf32, #tpu.memory_space<vmem>>) dst(%dma_wait3A_180 : memref<10000x128xf32, #tpu.memory_space<vmem_shared>>)
      tpu.yield
    }) : () -> ()
    %dma_wait3A_118 = arith.constant 2 : i32
    %dma_wait3A_119 = arith.constant 0 : i32
    %dma_wait3A_120 = arith.constant 0 : i32
    %dma_wait3A_121 = tpu.memref_slice %arg9[%dma_wait3A_118, %dma_wait3A_119, %dma_wait3A_120] : memref<5x40x128xf32, #tpu.memory_space<vmem>> -> memref<1x40x128xf32, #tpu.memory_space<vmem>>
    %dma_wait3A_122 = tpu.memref_squeeze %dma_wait3A_121 : memref<1x40x128xf32, #tpu.memory_space<vmem>> -> memref<40x128xf32, #tpu.memory_space<vmem>>
    %dma_wait3A_123 = arith.constant 0 : i32
    %dma_wait3A_124 = tpu.memref_slice %arg7[%dma_wait3A_123] : memref<10000xi32, #tpu.memory_space<vmem>> -> memref<40xi32, #tpu.memory_space<vmem>>
    %dma_wait3A_125 = arith.constant 0 : i32
    %dma_wait3A_126 = arith.constant 0 : i32
    %dma_wait3A_127 = tpu.memref_slice %arg2[%dma_wait3A_125, %dma_wait3A_126] : memref<10000x128xf32, #tpu.memory_space<hbm>> -> memref<10000x128xf32, #tpu.memory_space<hbm>>
    tpu.wait_indirect_dma semaphore(%arg12 : memref<!tpu.dma_semaphore, #tpu.memory_space<semaphore_mem>>) src(%dma_wait3A_127 : memref<10000x128xf32, #tpu.memory_space<hbm>>) dst(%dma_wait3A_122 : memref<40x128xf32, #tpu.memory_space<vmem>>)
    %run_scoped3A_128 = arith.constant 2 : i32
    %run_scoped3A_129 = arith.constant 247 : i32
    "tpu.region"() ({
      %run_scoped3A_160 = tpu.sem_alloc : memref<!tpu.dma_semaphore, #tpu.memory_space<semaphore_mem>>
      %dma_start3A_161 = arith.constant 0 : i32
      %dma_start3A_162 = arith.constant 0 : i32
      %dma_start3A_163 = tpu.memref_slice %arg9[%run_scoped3A_128, %dma_start3A_161, %dma_start3A_162] : memref<5x40x128xf32, #tpu.memory_space<vmem>> -> memref<1x40x128xf32, #tpu.memory_space<vmem>>
      %dma_start3A_164 = tpu.memref_squeeze %dma_start3A_163 : memref<1x40x128xf32, #tpu.memory_space<vmem>> -> memref<40x128xf32, #tpu.memory_space<vmem>>
      %dma_start3A_165 = arith.constant 0 : i32
      %dma_start3A_166 = tpu.memref_slice %arg8[%run_scoped3A_129, %dma_start3A_165] : memref<250x40xi32, #tpu.memory_space<vmem>> -> memref<1x40xi32, #tpu.memory_space<vmem>>
      %dma_start3A_167 = tpu.memref_squeeze %dma_start3A_166 : memref<1x40xi32, #tpu.memory_space<vmem>> -> memref<40xi32, #tpu.memory_space<vmem>>
      %dma_start3A_168 = arith.constant 0 : i32
      %dma_start3A_169 = arith.constant 0 : i32
      %dma_start3A_170 = tpu.memref_slice %arg6[%dma_start3A_168, %dma_start3A_169] : memref<10000x128xf32, #tpu.memory_space<vmem_shared>> -> memref<10000x128xf32, #tpu.memory_space<vmem_shared>>
      tpu.enqueue_indirect_dma source(%dma_start3A_164 : memref<40x128xf32, #tpu.memory_space<vmem>>) target(%dma_start3A_170 : memref<10000x128xf32, #tpu.memory_space<vmem_shared>>) offsets(%dma_start3A_167 : memref<40xi32, #tpu.memory_space<vmem>>) semaphore(%run_scoped3A_160 : memref<!tpu.dma_semaphore, #tpu.memory_space<semaphore_mem>>) {add = true}
      %dma_wait3A_171 = arith.constant 0 : i32
      %dma_wait3A_172 = arith.constant 0 : i32
      %dma_wait3A_173 = tpu.memref_slice %arg9[%run_scoped3A_128, %dma_wait3A_171, %dma_wait3A_172] : memref<5x40x128xf32, #tpu.memory_space<vmem>> -> memref<1x40x128xf32, #tpu.memory_space<vmem>>
      %dma_wait3A_174 = tpu.memref_squeeze %dma_wait3A_173 : memref<1x40x128xf32, #tpu.memory_space<vmem>> -> memref<40x128xf32, #tpu.memory_space<vmem>>
      %dma_wait3A_175 = arith.constant 0 : i32
      %dma_wait3A_176 = tpu.memref_slice %arg8[%run_scoped3A_129, %dma_wait3A_175] : memref<250x40xi32, #tpu.memory_space<vmem>> -> memref<1x40xi32, #tpu.memory_space<vmem>>
      %dma_wait3A_177 = tpu.memref_squeeze %dma_wait3A_176 : memref<1x40xi32, #tpu.memory_space<vmem>> -> memref<40xi32, #tpu.memory_space<vmem>>
      %dma_wait3A_178 = arith.constant 0 : i32
      %dma_wait3A_179 = arith.constant 0 : i32
      %dma_wait3A_180 = tpu.memref_slice %arg6[%dma_wait3A_178, %dma_wait3A_179] : memref<10000x128xf32, #tpu.memory_space<vmem_shared>> -> memref<10000x128xf32, #tpu.memory_space<vmem_shared>>
      tpu.wait_indirect_dma semaphore(%run_scoped3A_160 : memref<!tpu.dma_semaphore, #tpu.memory_space<semaphore_mem>>) src(%dma_wait3A_174 : memref<40x128xf32, #tpu.memory_space<vmem>>) dst(%dma_wait3A_180 : memref<10000x128xf32, #tpu.memory_space<vmem_shared>>)
      tpu.yield
    }) : () -> ()
    %dma_wait3A_130 = arith.constant 3 : i32
    %dma_wait3A_131 = arith.constant 0 : i32
    %dma_wait3A_132 = arith.constant 0 : i32
    %dma_wait3A_133 = tpu.memref_slice %arg9[%dma_wait3A_130, %dma_wait3A_131, %dma_wait3A_132] : memref<5x40x128xf32, #tpu.memory_space<vmem>> -> memref<1x40x128xf32, #tpu.memory_space<vmem>>
    %dma_wait3A_134 = tpu.memref_squeeze %dma_wait3A_133 : memref<1x40x128xf32, #tpu.memory_space<vmem>> -> memref<40x128xf32, #tpu.memory_space<vmem>>
    %dma_wait3A_135 = arith.constant 0 : i32
    %dma_wait3A_136 = tpu.memref_slice %arg7[%dma_wait3A_135] : memref<10000xi32, #tpu.memory_space<vmem>> -> memref<40xi32, #tpu.memory_space<vmem>>
    %dma_wait3A_137 = arith.constant 0 : i32
    %dma_wait3A_138 = arith.constant 0 : i32
    %dma_wait3A_139 = tpu.memref_slice %arg2[%dma_wait3A_137, %dma_wait3A_138] : memref<10000x128xf32, #tpu.memory_space<hbm>> -> memref<10000x128xf32, #tpu.memory_space<hbm>>
    tpu.wait_indirect_dma semaphore(%arg13 : memref<!tpu.dma_semaphore, #tpu.memory_space<semaphore_mem>>) src(%dma_wait3A_139 : memref<10000x128xf32, #tpu.memory_space<hbm>>) dst(%dma_wait3A_134 : memref<40x128xf32, #tpu.memory_space<vmem>>)
    %run_scoped3A_140 = arith.constant 3 : i32
    %run_scoped3A_141 = arith.constant 248 : i32
    "tpu.region"() ({
      %run_scoped3A_160 = tpu.sem_alloc : memref<!tpu.dma_semaphore, #tpu.memory_space<semaphore_mem>>
      %dma_start3A_161 = arith.constant 0 : i32
      %dma_start3A_162 = arith.constant 0 : i32
      %dma_start3A_163 = tpu.memref_slice %arg9[%run_scoped3A_140, %dma_start3A_161, %dma_start3A_162] : memref<5x40x128xf32, #tpu.memory_space<vmem>> -> memref<1x40x128xf32, #tpu.memory_space<vmem>>
      %dma_start3A_164 = tpu.memref_squeeze %dma_start3A_163 : memref<1x40x128xf32, #tpu.memory_space<vmem>> -> memref<40x128xf32, #tpu.memory_space<vmem>>
      %dma_start3A_165 = arith.constant 0 : i32
      %dma_start3A_166 = tpu.memref_slice %arg8[%run_scoped3A_141, %dma_start3A_165] : memref<250x40xi32, #tpu.memory_space<vmem>> -> memref<1x40xi32, #tpu.memory_space<vmem>>
      %dma_start3A_167 = tpu.memref_squeeze %dma_start3A_166 : memref<1x40xi32, #tpu.memory_space<vmem>> -> memref<40xi32, #tpu.memory_space<vmem>>
      %dma_start3A_168 = arith.constant 0 : i32
      %dma_start3A_169 = arith.constant 0 : i32
      %dma_start3A_170 = tpu.memref_slice %arg6[%dma_start3A_168, %dma_start3A_169] : memref<10000x128xf32, #tpu.memory_space<vmem_shared>> -> memref<10000x128xf32, #tpu.memory_space<vmem_shared>>
      tpu.enqueue_indirect_dma source(%dma_start3A_164 : memref<40x128xf32, #tpu.memory_space<vmem>>) target(%dma_start3A_170 : memref<10000x128xf32, #tpu.memory_space<vmem_shared>>) offsets(%dma_start3A_167 : memref<40xi32, #tpu.memory_space<vmem>>) semaphore(%run_scoped3A_160 : memref<!tpu.dma_semaphore, #tpu.memory_space<semaphore_mem>>) {add = true}
      %dma_wait3A_171 = arith.constant 0 : i32
      %dma_wait3A_172 = arith.constant 0 : i32
      %dma_wait3A_173 = tpu.memref_slice %arg9[%run_scoped3A_140, %dma_wait3A_171, %dma_wait3A_172] : memref<5x40x128xf32, #tpu.memory_space<vmem>> -> memref<1x40x128xf32, #tpu.memory_space<vmem>>
      %dma_wait3A_174 = tpu.memref_squeeze %dma_wait3A_173 : memref<1x40x128xf32, #tpu.memory_space<vmem>> -> memref<40x128xf32, #tpu.memory_space<vmem>>
      %dma_wait3A_175 = arith.constant 0 : i32
      %dma_wait3A_176 = tpu.memref_slice %arg8[%run_scoped3A_141, %dma_wait3A_175] : memref<250x40xi32, #tpu.memory_space<vmem>> -> memref<1x40xi32, #tpu.memory_space<vmem>>
      %dma_wait3A_177 = tpu.memref_squeeze %dma_wait3A_176 : memref<1x40xi32, #tpu.memory_space<vmem>> -> memref<40xi32, #tpu.memory_space<vmem>>
      %dma_wait3A_178 = arith.constant 0 : i32
      %dma_wait3A_179 = arith.constant 0 : i32
      %dma_wait3A_180 = tpu.memref_slice %arg6[%dma_wait3A_178, %dma_wait3A_179] : memref<10000x128xf32, #tpu.memory_space<vmem_shared>> -> memref<10000x128xf32, #tpu.memory_space<vmem_shared>>
      tpu.wait_indirect_dma semaphore(%run_scoped3A_160 : memref<!tpu.dma_semaphore, #tpu.memory_space<semaphore_mem>>) src(%dma_wait3A_174 : memref<40x128xf32, #tpu.memory_space<vmem>>) dst(%dma_wait3A_180 : memref<10000x128xf32, #tpu.memory_space<vmem_shared>>)
      tpu.yield
    }) : () -> ()
    %dma_wait3A_142 = arith.constant 4 : i32
    %dma_wait3A_143 = arith.constant 0 : i32
    %dma_wait3A_144 = arith.constant 0 : i32
    %dma_wait3A_145 = tpu.memref_slice %arg9[%dma_wait3A_142, %dma_wait3A_143, %dma_wait3A_144] : memref<5x40x128xf32, #tpu.memory_space<vmem>> -> memref<1x40x128xf32, #tpu.memory_space<vmem>>
    %dma_wait3A_146 = tpu.memref_squeeze %dma_wait3A_145 : memref<1x40x128xf32, #tpu.memory_space<vmem>> -> memref<40x128xf32, #tpu.memory_space<vmem>>
    %dma_wait3A_147 = arith.constant 0 : i32
    %dma_wait3A_148 = tpu.memref_slice %arg7[%dma_wait3A_147] : memref<10000xi32, #tpu.memory_space<vmem>> -> memref<40xi32, #tpu.memory_space<vmem>>
    %dma_wait3A_149 = arith.constant 0 : i32
    %dma_wait3A_150 = arith.constant 0 : i32
    %dma_wait3A_151 = tpu.memref_slice %arg2[%dma_wait3A_149, %dma_wait3A_150] : memref<10000x128xf32, #tpu.memory_space<hbm>> -> memref<10000x128xf32, #tpu.memory_space<hbm>>
    tpu.wait_indirect_dma semaphore(%arg14 : memref<!tpu.dma_semaphore, #tpu.memory_space<semaphore_mem>>) src(%dma_wait3A_151 : memref<10000x128xf32, #tpu.memory_space<hbm>>) dst(%dma_wait3A_146 : memref<40x128xf32, #tpu.memory_space<vmem>>)
    %run_scoped3A_152 = arith.constant 4 : i32
    %run_scoped3A_153 = arith.constant 249 : i32
    "tpu.region"() ({
      %run_scoped3A_160 = tpu.sem_alloc : memref<!tpu.dma_semaphore, #tpu.memory_space<semaphore_mem>>
      %dma_start3A_161 = arith.constant 0 : i32
      %dma_start3A_162 = arith.constant 0 : i32
      %dma_start3A_163 = tpu.memref_slice %arg9[%run_scoped3A_152, %dma_start3A_161, %dma_start3A_162] : memref<5x40x128xf32, #tpu.memory_space<vmem>> -> memref<1x40x128xf32, #tpu.memory_space<vmem>>
      %dma_start3A_164 = tpu.memref_squeeze %dma_start3A_163 : memref<1x40x128xf32, #tpu.memory_space<vmem>> -> memref<40x128xf32, #tpu.memory_space<vmem>>
      %dma_start3A_165 = arith.constant 0 : i32
      %dma_start3A_166 = tpu.memref_slice %arg8[%run_scoped3A_153, %dma_start3A_165] : memref<250x40xi32, #tpu.memory_space<vmem>> -> memref<1x40xi32, #tpu.memory_space<vmem>>
      %dma_start3A_167 = tpu.memref_squeeze %dma_start3A_166 : memref<1x40xi32, #tpu.memory_space<vmem>> -> memref<40xi32, #tpu.memory_space<vmem>>
      %dma_start3A_168 = arith.constant 0 : i32
      %dma_start3A_169 = arith.constant 0 : i32
      %dma_start3A_170 = tpu.memref_slice %arg6[%dma_start3A_168, %dma_start3A_169] : memref<10000x128xf32, #tpu.memory_space<vmem_shared>> -> memref<10000x128xf32, #tpu.memory_space<vmem_shared>>
      tpu.enqueue_indirect_dma source(%dma_start3A_164 : memref<40x128xf32, #tpu.memory_space<vmem>>) target(%dma_start3A_170 : memref<10000x128xf32, #tpu.memory_space<vmem_shared>>) offsets(%dma_start3A_167 : memref<40xi32, #tpu.memory_space<vmem>>) semaphore(%run_scoped3A_160 : memref<!tpu.dma_semaphore, #tpu.memory_space<semaphore_mem>>) {add = true}
      %dma_wait3A_171 = arith.constant 0 : i32
      %dma_wait3A_172 = arith.constant 0 : i32
      %dma_wait3A_173 = tpu.memref_slice %arg9[%run_scoped3A_152, %dma_wait3A_171, %dma_wait3A_172] : memref<5x40x128xf32, #tpu.memory_space<vmem>> -> memref<1x40x128xf32, #tpu.memory_space<vmem>>
      %dma_wait3A_174 = tpu.memref_squeeze %dma_wait3A_173 : memref<1x40x128xf32, #tpu.memory_space<vmem>> -> memref<40x128xf32, #tpu.memory_space<vmem>>
      %dma_wait3A_175 = arith.constant 0 : i32
      %dma_wait3A_176 = tpu.memref_slice %arg8[%run_scoped3A_153, %dma_wait3A_175] : memref<250x40xi32, #tpu.memory_space<vmem>> -> memref<1x40xi32, #tpu.memory_space<vmem>>
      %dma_wait3A_177 = tpu.memref_squeeze %dma_wait3A_176 : memref<1x40xi32, #tpu.memory_space<vmem>> -> memref<40xi32, #tpu.memory_space<vmem>>
      %dma_wait3A_178 = arith.constant 0 : i32
      %dma_wait3A_179 = arith.constant 0 : i32
      %dma_wait3A_180 = tpu.memref_slice %arg6[%dma_wait3A_178, %dma_wait3A_179] : memref<10000x128xf32, #tpu.memory_space<vmem_shared>> -> memref<10000x128xf32, #tpu.memory_space<vmem_shared>>
      tpu.wait_indirect_dma semaphore(%run_scoped3A_160 : memref<!tpu.dma_semaphore, #tpu.memory_space<semaphore_mem>>) src(%dma_wait3A_174 : memref<40x128xf32, #tpu.memory_space<vmem>>) dst(%dma_wait3A_180 : memref<10000x128xf32, #tpu.memory_space<vmem_shared>>)
      tpu.yield
    }) : () -> ()
    %barrier3A_154 = arith.constant 0 : index
    tpu.barrier barrier_id(%barrier3A_154)
    "tpu.region"() ({
      %run_scoped3A_160 = tpu.sem_alloc : memref<!tpu.dma_semaphore, #tpu.memory_space<semaphore_mem>>
      %dma_start3A_161 = arith.constant 0 : i32
      %dma_start3A_162 = arith.constant 0 : i32
      %dma_start3A_163 = tpu.memref_slice %arg5[%arg0, %dma_start3A_161, %dma_start3A_162] : memref<2x10000x128xf32, #tpu.memory_space<hbm>> -> memref<1x10000x128xf32, #tpu.memory_space<hbm>>
      %dma_start3A_164 = tpu.memref_squeeze %dma_start3A_163 : memref<1x10000x128xf32, #tpu.memory_space<hbm>> -> memref<10000x128xf32, #tpu.memory_space<hbm>>
      %dma_start3A_165 = arith.constant 0 : i32
      %dma_start3A_166 = tpu.memref_slice %dma_start3A_164[%mul3A_7, %dma_start3A_165] : memref<10000x128xf32, #tpu.memory_space<hbm>> -> memref<624x128xf32, #tpu.memory_space<hbm>>
      %dma_start3A_167 = arith.constant 0 : i32
      %dma_start3A_168 = tpu.memref_slice %arg6[%mul3A_7, %dma_start3A_167] : memref<10000x128xf32, #tpu.memory_space<vmem_shared>> -> memref<624x128xf32, #tpu.memory_space<vmem_shared>>
      tpu.enqueue_dma source(%dma_start3A_168 : memref<624x128xf32, #tpu.memory_space<vmem_shared>>) target(%dma_start3A_166 : memref<624x128xf32, #tpu.memory_space<hbm>>) target_semaphore(%run_scoped3A_160 : memref<!tpu.dma_semaphore, #tpu.memory_space<semaphore_mem>>)
      %dma_wait3A_169 = arith.constant 0 : i32
      %dma_wait3A_170 = arith.constant 0 : i32
      %dma_wait3A_171 = tpu.memref_slice %arg5[%arg0, %dma_wait3A_169, %dma_wait3A_170] : memref<2x10000x128xf32, #tpu.memory_space<hbm>> -> memref<1x10000x128xf32, #tpu.memory_space<hbm>>
      %dma_wait3A_172 = tpu.memref_squeeze %dma_wait3A_171 : memref<1x10000x128xf32, #tpu.memory_space<hbm>> -> memref<10000x128xf32, #tpu.memory_space<hbm>>
      %dma_wait3A_173 = arith.constant 0 : i32
      %dma_wait3A_174 = tpu.memref_slice %dma_wait3A_172[%mul3A_7, %dma_wait3A_173] : memref<10000x128xf32, #tpu.memory_space<hbm>> -> memref<624x128xf32, #tpu.memory_space<hbm>>
      %dma_wait3A_175 = arith.constant 0 : i32
      %dma_wait3A_176 = tpu.memref_slice %arg6[%mul3A_7, %dma_wait3A_175] : memref<10000x128xf32, #tpu.memory_space<vmem_shared>> -> memref<624x128xf32, #tpu.memory_space<vmem_shared>>
      tpu.wait_dma2 semaphore(%run_scoped3A_160 : memref<!tpu.dma_semaphore, #tpu.memory_space<semaphore_mem>>) src(%dma_wait3A_176 : memref<624x128xf32, #tpu.memory_space<vmem_shared>>) dst(%dma_wait3A_174 : memref<624x128xf32, #tpu.memory_space<hbm>>)
      tpu.yield
    }) : () -> ()
    %eq3A_155 = arith.constant 15 : i32
    %eq3A_156 = arith.cmpi eq, %arg1, %eq3A_155 : i32
    %convert_element_type3A_157 = arith.extui %eq3A_156 : i1 to i32
    %cond3A_158 = arith.constant 0 : i32
    %cond3A_159 = arith.cmpi ne, %convert_element_type3A_157, %cond3A_158 : i32
    scf.if %cond3A_159 {
      "tpu.region"() ({
        %run_scoped3A_160 = tpu.sem_alloc : memref<!tpu.dma_semaphore, #tpu.memory_space<semaphore_mem>>
        %dma_start3A_161 = arith.constant 0 : i32
        %dma_start3A_162 = arith.constant 0 : i32
        %dma_start3A_163 = tpu.memref_slice %arg5[%arg0, %dma_start3A_161, %dma_start3A_162] : memref<2x10000x128xf32, #tpu.memory_space<hbm>> -> memref<1x10000x128xf32, #tpu.memory_space<hbm>>
        %dma_start3A_164 = tpu.memref_squeeze %dma_start3A_163 : memref<1x10000x128xf32, #tpu.memory_space<hbm>> -> memref<10000x128xf32, #tpu.memory_space<hbm>>
        %dma_start3A_165 = arith.constant 9984 : i32
        %dma_start3A_166 = arith.constant 0 : i32
        %dma_start3A_167 = tpu.memref_slice %dma_start3A_164[%dma_start3A_165, %dma_start3A_166] : memref<10000x128xf32, #tpu.memory_space<hbm>> -> memref<16x128xf32, #tpu.memory_space<hbm>>
        %dma_start3A_168 = arith.constant 9984 : i32
        %dma_start3A_169 = arith.constant 0 : i32
        %dma_start3A_170 = tpu.memref_slice %arg6[%dma_start3A_168, %dma_start3A_169] : memref<10000x128xf32, #tpu.memory_space<vmem_shared>> -> memref<16x128xf32, #tpu.memory_space<vmem_shared>>
        tpu.enqueue_dma source(%dma_start3A_170 : memref<16x128xf32, #tpu.memory_space<vmem_shared>>) target(%dma_start3A_167 : memref<16x128xf32, #tpu.memory_space<hbm>>) target_semaphore(%run_scoped3A_160 : memref<!tpu.dma_semaphore, #tpu.memory_space<semaphore_mem>>)
        %dma_wait3A_171 = arith.constant 0 : i32
        %dma_wait3A_172 = arith.constant 0 : i32
        %dma_wait3A_173 = tpu.memref_slice %arg5[%arg0, %dma_wait3A_171, %dma_wait3A_172] : memref<2x10000x128xf32, #tpu.memory_space<hbm>> -> memref<1x10000x128xf32, #tpu.memory_space<hbm>>
        %dma_wait3A_174 = tpu.memref_squeeze %dma_wait3A_173 : memref<1x10000x128xf32, #tpu.memory_space<hbm>> -> memref<10000x128xf32, #tpu.memory_space<hbm>>
        %dma_wait3A_175 = arith.constant 9984 : i32
        %dma_wait3A_176 = arith.constant 0 : i32
        %dma_wait3A_177 = tpu.memref_slice %dma_wait3A_174[%dma_wait3A_175, %dma_wait3A_176] : memref<10000x128xf32, #tpu.memory_space<hbm>> -> memref<16x128xf32, #tpu.memory_space<hbm>>
        %dma_wait3A_178 = arith.constant 9984 : i32
        %dma_wait3A_179 = arith.constant 0 : i32
        %dma_wait3A_180 = tpu.memref_slice %arg6[%dma_wait3A_178, %dma_wait3A_179] : memref<10000x128xf32, #tpu.memory_space<vmem_shared>> -> memref<16x128xf32, #tpu.memory_space<vmem_shared>>
        tpu.wait_dma2 semaphore(%run_scoped3A_160 : memref<!tpu.dma_semaphore, #tpu.memory_space<semaphore_mem>>) src(%dma_wait3A_180 : memref<16x128xf32, #tpu.memory_space<vmem_shared>>) dst(%dma_wait3A_177 : memref<16x128xf32, #tpu.memory_space<hbm>>)
        tpu.yield
      }) : () -> ()
    } else {
    }
    return
  }
}

module attributes {stable_mosaic.version = 14 : i64} {
  func.func @body(%arg0: i32, %arg1: memref<2x2000x128xf32, #tpu.memory_space<vmem>>, %arg2: memref<2000x128xf32, #tpu.memory_space<vmem>>) attributes {dimension_semantics = [#tpu.dimension_semantics<arbitrary>], iteration_bounds = array<i64: 5>, scalar_prefetch = 0 : i64, scratch_operands = 0 : i64, tpu.core_type = #tpu.core_type<tc>, window_params = [{transform_indices = @transform_0, window_bounds = array<i64: 2, 2000, 128>}, {transform_indices = @transform_1, window_bounds = array<i64: 2000, 128>}]} {
    %get3A = arith.constant 0 : index
    %get3A_0 = arith.constant 0 : index
    %get3A_1 = arith.constant 0 : index
    %get3A_2 = vector.load %arg1[%get3A, %get3A_0, %get3A_1] : memref<2x2000x128xf32, #tpu.memory_space<vmem>>, vector<1x2000x128xf32>
    %get3A_3 = vector.shape_cast %get3A_2 : vector<1x2000x128xf32> to vector<2000x128xf32>
    %get3A_4 = arith.constant 1 : index
    %get3A_5 = arith.constant 0 : index
    %get3A_6 = arith.constant 0 : index
    %get3A_7 = vector.load %arg1[%get3A_4, %get3A_5, %get3A_6] : memref<2x2000x128xf32, #tpu.memory_space<vmem>>, vector<1x2000x128xf32>
    %get3A_8 = vector.shape_cast %get3A_7 : vector<1x2000x128xf32> to vector<2000x128xf32>
    %add3A = arith.addf %get3A_3, %get3A_8 : vector<2000x128xf32>
    %swap3A = arith.constant 0 : index
    %swap3A_9 = arith.constant 0 : index
    %swap3A_10 = vector.load %arg2[%swap3A, %swap3A_9] : memref<2000x128xf32, #tpu.memory_space<vmem>>, vector<2000x128xf32>
    tpu.vector_store %arg2[%swap3A, %swap3A_9], %add3A {strides = array<i32>} : memref<2000x128xf32, #tpu.memory_space<vmem>>, vector<2000x128xf32>,
    return
  }
  func.func @transform_0(%arg0: i32) -> (i32, i32, i32) {
    %c0_i32 = arith.constant 0 : i32
    %c0_i32_0 = arith.constant 0 : i32
    %c0_i32_1 = arith.constant 0 : i32
    return %c0_i32, %arg0, %c0_i32_0 : i32, i32, i32
  }
  func.func @transform_1(%arg0: i32) -> (i32, i32) {
    %c0_i32 = arith.constant 0 : i32
    %c0_i32_0 = arith.constant 0 : i32
    return %arg0, %c0_i32 : i32, i32
  }
}

</mosaic_0001>

<sc_bundles>
// kernel: kernel.4.cloned.1.call-start
scs
__scs_entry_jumppad:
0x0: {  	(pc) =	sbr.rel $0x88, $3  }
0x1: {  	(tag) =	ssettag $0x0;
	lr =	simm.s32 $0x1  }
0x2: {  	[smem:$0x3F9F] =	sst lr;
	_ =	strace $0xD0000000  }
0x3: {  	_ = 	snop  }
0x4: {  	_ = 	snop  }
0x5: {  	_ = 	snop  }
0x6: {  	_ = 	snop  }
0x7: {  	_ = 	snop  }
__scs_overlays_trampoline_lowered:
0x8: {  	[smem:$0x3FAE] =	sst s0  }
0x9: {  	[smem:$0x3FAF] =	sst s1  }
0xa: {  	[smem:$0x3FB0] =	sst s2  }
0xb: {  	[smem:$0x3FB1] =	sst s3  }
0xc: {  	[smem:$0x3FB2] =	sst s4  }
0xd: {  	[smem:$0x3FB3] =	sst s5  }
0xe: {  	[smem:$0x3FB4] =	sst s6  }
0xf: {  	[smem:$0x3FB5] =	sst s7  }
0x10: {  	[smem:$0x3FB6] =	sst s8  }
0x11: {  	[smem:$0x3FB7] =	sst s9;
	s0 =	simm.s32 @!p0 $0x0  }
0x12: {  	s1 =	sld [smem:$0x3F9D];
	s0 =	simm.s32 @p0 $0x1  }
0x13: {  	[smem:$0x3FB8] =	sst s0;
	s0 =	simm.s32 @!p1 $0x0  }
0x14: {  	s2 =	sld [smem:$0x3F9C];
	s0 =	simm.s32 @p1 $0x1  }
0x15: {  	[smem:$0x3FB9] =	sst s0;
	s0 =	simm.s32 @!p2 $0x0  }
0x16: {  	s3 =	sld [smem:$0x3FDB];
	s0 =	simm.s32 @p2 $0x1  }
0x17: {  	s4 =	simm.s32 $0x1BF5;
	[smem:$0x3FBB] =	sst s0  }
0x18: {  	s0 =	sld [smem:$0x3F9E];
	_ =	swait.ge [sflag:s4], $0x0  }
0x19: {  	s7 =	sld [smem:$0x3F9F]  }
0x1a: {  	s8 =	sadd.s32 $0xFFFFE003, lr  }
0x1b: {  	s9 =	sadd.s32 $0xFFFFFEF7, lr;
	s5 =	simm.s32 $0xFFFFFFFF;
	p2 =	slt.u32 s8, $0xFFFFF086  }
0x1c: {  	p1 =	slt.u32 s9, $0xF7A;
	s5 =	simm.s32 @!p2 $0x0  }
0x1d: {  	s5 =	simm.s32 @p1 $0x1;
	p0 =	seq.s32 s7, s2  }
0x1e: {  	s7 =	smul.u32 @!p0 $0xF7A, s2;
	p2 =	seq.s32 @!p0 s5, $0x0  }
0x1f: {  	s9 =	smul.u32 $0xF7A, s1;
	s8 =	simm.s32 @!p0 $0x1BF5;
	p2 =	por !p2, p0  }
0x20: {  	[sflag:s8] =	ssyncset.s32 @!p0 $0xFFFFF086;
	s6 =	sadd.s32 @!p0 s3, s7;
	s7 =	simm.s32 @!p0 $0x108  }
0x21: {  	s3 =	sadd.s32 s3, s9;
	s6 =	sadd.s32 @!p0 $0x88, s6;
	s7 =	simm.s32 @p2 $0x1082  }
0x22: {  	[simem:s7], [sflag:s8] =	dma.local @!p0 [hbm:s6], $0xF7A  }
0x23: {  	s9 =	sor.u32 $0xD0000000, s2;
	s6 =	simm.s32 $0x108;
	_ =	swait.ge @!p0 [sflag:s8], $0x0  }
0x24: {  	s3 =	sadd.s32 $0x88, s3;
	s6 =	simm.s32 @!p1 $0x1082;
	[sflag:s4] =	ssyncset.s32 $0xFFFFF086  }
0x25: {  	[simem:s6], [sflag:s4] =	dma.local [hbm:s3], $0xF7A  }
0x26: {  	[smem:$0x3F9F] =	sst s1;
	(tag) =	ssettag s2;
	_ =	strace s9  }
0x27: {  	s1 =	sld [smem:$0x3FAF]  }
0x28: {  	s2 =	sld [smem:$0x3FB0]  }
0x29: {  	s4 =	sld [smem:$0x3FB2]  }
0x2a: {  	p0 =	seq.s32 s5, $0x0;
	s5 =	sld [smem:$0x3FB3]  }
0x2b: {  	s6 =	sld [smem:$0x3FB4]  }
0x2c: {  	s7 =	sld [smem:$0x3FB5]  }
0x2d: {  	s3 =	simm.s32 $0x108;
	s8 =	sld [smem:$0x3FB6]  }
0x2e: {  	s3 =	simm.s32 @!p0 $0x1082;
	s9 =	sld [smem:$0x3FB7]  }
0x2f: {  	lr =	sadd.s32 s0, s3;
	s0 =	sld [smem:$0x3FAE]  }
0x30: {  	s3 =	sld [smem:$0x3FB1]  }
0x31: {  	[smem:$0x3FBA] =	sst s10  }
0x32: {  	s10 =	sld [smem:$0x3FB8];
	_ =	sdelay $0x3  }
0x33: {  	p0 =	seq.s32 s10, $0x1;
	s10 =	sld [smem:$0x3FBA];
	_ =	sdelay $0x3  }
0x34: {  	[smem:$0x3FBA] =	sst s10  }
0x35: {  	s10 =	sld [smem:$0x3FB9];
	_ =	sdelay $0x3  }
0x36: {  	p1 =	seq.s32 s10, $0x1;
	s10 =	sld [smem:$0x3FBA];
	_ =	sdelay $0x3  }
0x37: {  	[smem:$0x3FBA] =	sst s10  }
0x38: {  	s10 =	sld [smem:$0x3FBB]  }
0x39: {  	_ = 	snop;
	(pc) =	sbr.ind lr, $3  }
0x3a: {  	_ = 	snop  }
0x3b: {  	_ = 	snop  }
0x3c: {  	p2 =	seq.s32 s10, $0x1;
	s10 =	sld [smem:$0x3FBA]  }
0x3d: {  	_ =	shalt  }
0x3e: {  	_ =	shalt  }
0x3f: {  	_ =	shalt  }
0x40: {  	_ =	shalt  }
0x41: {  	_ =	shalt  }
0x42: {  	_ =	shalt  }
0x43: {  	_ =	shalt  }
0x44: {  	_ =	shalt  }
0x45: {  	_ =	shalt  }
0x46: {  	_ =	shalt  }
0x47: {  	_ =	shalt  }
0x48: {  	_ =	shalt  }
0x49: {  	_ =	shalt  }
0x4a: {  	_ =	shalt  }
0x4b: {  	_ =	shalt  }
0x4c: {  	_ =	shalt  }
0x4d: {  	_ =	shalt  }
0x4e: {  	_ =	shalt  }
0x4f: {  	_ =	shalt  }
0x50: {  	_ =	shalt  }
0x51: {  	_ =	shalt  }
0x52: {  	_ =	shalt  }
0x53: {  	_ =	shalt  }
0x54: {  	_ =	shalt  }
0x55: {  	_ =	shalt  }
0x56: {  	_ =	shalt  }
0x57: {  	_ =	shalt  }
0x58: {  	_ =	shalt  }
0x59: {  	_ =	shalt  }
0x5a: {  	_ =	shalt  }
0x5b: {  	_ =	shalt  }
0x5c: {  	_ =	shalt  }
0x5d: {  	_ =	shalt  }
0x5e: {  	_ =	shalt  }
0x5f: {  	_ =	shalt  }
0x60: {  	_ =	shalt  }
0x61: {  	_ =	shalt  }
0x62: {  	_ =	shalt  }
0x63: {  	_ =	shalt  }
0x64: {  	_ =	shalt  }
0x65: {  	_ =	shalt  }
0x66: {  	_ =	shalt  }
0x67: {  	_ =	shalt  }
0x68: {  	_ =	shalt  }
0x69: {  	_ =	shalt  }
0x6a: {  	_ =	shalt  }
0x6b: {  	_ =	shalt  }
0x6c: {  	_ =	shalt  }
0x6d: {  	_ =	shalt  }
0x6e: {  	_ =	shalt  }
0x6f: {  	_ =	shalt  }
0x70: {  	_ =	shalt  }
0x71: {  	_ =	shalt  }
0x72: {  	_ =	shalt  }
0x73: {  	_ =	shalt  }
0x74: {  	_ =	shalt  }
0x75: {  	_ =	shalt  }
0x76: {  	_ =	shalt  }
0x77: {  	_ =	shalt  }
0x78: {  	_ =	shalt  }
0x79: {  	_ =	shalt  }
0x7a: {  	_ =	shalt  }
0x7b: {  	_ =	shalt  }
0x7c: {  	_ =	shalt  }
0x7d: {  	_ =	shalt  }
0x7e: {  	_ =	shalt  }
0x7f: {  	_ =	shalt  }
0x80: {  	_ =	shalt  }
0x81: {  	_ =	shalt  }
0x82: {  	_ =	shalt  }
0x83: {  	_ =	shalt  }
0x84: {  	_ =	shalt  }
0x85: {  	_ =	shalt  }
0x86: {  	_ =	shalt  }
0x87: {  	_ =	shalt  }
.Lfunc_end0:
.L_simem_size_0:
called_computation_lowered:
.L_overlay_start_0:
0x88: {  	s2 =	sld [smem:$0x3FD9]  }
0x89: {  	s3 =	sld [smem:$0x3FFE];
	_ =	sdelay $0x1  }
0x8a: {  	s1 =	srdreg.scid  }
0x8b: {  	s0 =	sand.u32 $0x1, s1  }
0x8c: {  	s14 =	sshll.u32 s0, $0xA;
	s2 =	sadd.s32 s3, s2  }
0x8d: {  	s2 =	sadd.s32 s2, s14  }
0x8e: {  	[smem:$0x3FC6] =	sst s2  }
0x8f: {  	_ = 	snop  }
0x90: {  	s2 =	sld [smem:$0x3FD0];
	_ =	sdelay $0x2  }
0x91: {  	s4 =	simm.s32 $0xA;
	s5 =	simm.s32 $0x10;
	s15 =	sld [smem:$0x3FC9]  }
0x92: {  	[smem:s5], [sflag:s4] =	dma.local [hbm:s2], $0x1  }
0x93: {  	_ =	swait.eq [sflag:s4], $0x1  }
0x94: {  	[sflag:s4] =	ssyncset.done $0x0  }
0x95: {  	s16 =	sld [smem:$0x10];
	[sflag:s4] =	ssyncadd.s32 $0xFFFFFFFF  }
0x96: {  	s17 =	sld [smem:$0x11];
	(tm) =	ssettm $0x1  }
0x97: {  	s18 =	sld [smem:$0x3FFB];
	_ =	sdelay $0x3  }
0x98: {  	_ =	strace s18  }
0x99: {  	s5 =	sld [smem:$0x3FFC];
	_ =	sdelay $0x3  }
0x9a: {  	_ =	strace s5  }
0x9b: {  	s5 =	sld [smem:$0x3FFD];
	_ =	sdelay $0x3  }
0x9c: {  	_ =	strace s5  }
0x9d: {  	_ =	strace $0x8FFFFFFF  }
0x9e: {  	s19 =	sld [smem:$0x3FDB];
	_ =	sdelay $0x1  }
0x9f: {  	s6 =	simm.s32 $_scs_section_size  }
0xa0: {  	s7 =	simm.s32 $_size__tile_overlayer_lowered;
	s8 =	simm.s32 $_tile_overlayer_lowered  }
0xa1: {  	s22 =	simm.s32 $0x1BFF;
	s21 =	sshll.u32 s8, $0x1;
	s5 =	sadd.s32 s6, s19  }
0xa2: {  	s9 =	simm.s32 $0x0;
	s20 =	sshll.u32 s7, $0x1;
	s7 =	sadd.s32 s21, s5  }
0xa3: {  	[timem:s9], [sflag:s22] =	dma.local [hbm:s7], s20  }
0xa4: {  	_ =	swait.ge [sflag:s22], s20  }
0xa5: {  	s6 =	ssub.s32 $0x0, s20;
	[sflag:s22] =	ssyncset.done $0x0  }
0xa6: {  	[sflag:s22] =	ssyncadd.s32 s6;
	_ =	sdelay $0x1  }
0xa7: {  	s23 =	simm.s32 $0x1B8B  }
0xa8: {  	_ =	swait.ge [sflag:s23], $0x1  }
0xa9: {  	[sflag:s23] =	ssyncset.done $0x0  }
0xaa: {  	s25 =	simm.s32 $0x1B8E;
	s24 =	sld [smem:$0x3FFE];
	[sflag:s23] =	ssyncadd.s32 $0xFFFFFFFF  }
0xab: {  	s26 =	simm.s32 $execute0_lowered;
	[smem:$0x3FD2] =	sst s25  }
0xac: {  	s7 =	sshll.u32 s26, $0x1;
	_ =	strace $0x80000046;
	[dreg:$0x1] =	wrdreg $0xFFFFFFFF  }
0xad: {  	s28 =	simm.s32 $_size_execute0_lowered;
	s5 =	sadd.s32 s5, s7;
	[dreg:$0x0] =	wrdreg $0x0  }
0xae: {  	s7 =	sshll.u32 s28, $0x1;
	[dreg:$0x2] =	wrdreg s5  }
0xaf: {  	[dreg:$0x3] =	wrdreg s7  }
0xb0: {  	[dreg:$0x4] =	wrdreg $0xC0  }
0xb1: {  	_ =	task [dreg:s9], $0x5FFFF  }
0xb2: {  	[dreg:$0x1] =	wrdreg $0xFFFFFFFF  }
0xb3: {  	[dreg:$0x0] =	wrdreg $0x60  }
0xb4: {  	[dreg:$0x2] =	wrdreg s15  }
0xb5: {  	[dreg:$0x3] =	wrdreg s16  }
0xb6: {  	[dreg:$0x4] =	wrdreg s17  }
0xb7: {  	[dreg:$0x5] =	wrdreg s24  }
0xb8: {  	[dreg:$0x6] =	wrdreg $0x0  }
0xb9: {  	[dreg:$0x7] =	wrdreg $0x9  }
0xba: {  	_ =	task.clear_ibuf [dreg:s9], $0x8FFFF;
	_ =	strace $0x90000046  }
0xbb: {  	s29 =	simm.s32 $0x9;
	_ =	strace $0x80000048  }
0xbc: {  	_ =	swait.ge [sflag:s29], $0x1  }
0xbd: {  	[sflag:s29] =	ssyncadd.s32 $0xFFFFFFFF  }
0xbe: {  	_ =	strace $0x90000048  }
0xbf: {  	_ =	sfence  }
0xc0: {  	s30 =	sld [smem:$0x0];
	_ =	sdelay $0x2  }
0xc1: {  	s31 =	sshll.u32 s1, $0xD;
	s1 =	sshrl.u32 s1, $0x2  }
0xc2: {  	s3 =	sand.u32 $0x4000, s31;
	s1 =	sadd.s32 s1, s30  }
0xc3: {  	s0 =	sor.u32 s3, s0;
	s1 =	sshll.u32 s1, $0x11  }
0xc4: {  	s0 =	sor.u32 s1, s0  }
0xc5: {  	s0 =	sadd.s32 $0x8F2B, s0  }
0xc6: {  	[sflag:s0] =	ssyncadd.remote.s32 $0x1  }
0xc7: {  	_ =	sfence.sel $0xFFFF  }
0xc8: {  	[dreg:$0x0] =	wrdreg $0xFFFFFFFF;
	(pc) =	sbr.abs _section_cstart, $3  }
0xc9: {  	[dreg:$0x1] =	wrdreg $0xFFFFFFFF  }
0xca: {  	_ =	task.clear_ibuf [dreg:s9], $0x2FFFF;
	_ =	strace $0x9FFFFFFF  }
0xcb: {  	(tm) =	ssettm $0x7FFFFFFF  }
tec
execute0_lowered:
.L_overlay_start_1:
0x0: {  	(tag) =	ssettag $0x1  }
0x1: {  	s1 =	rddreg [dreg:$0x0]  }
0x2: {  	s0 =	rddreg [dreg:$0x1]  }
0x3: {  	s3 =	rddreg [dreg:$0x2]  }
0x4: {  	s5 =	rddreg [dreg:$0x3]  }
0x5: {  	s2 =	rddreg [dreg:$0x4]  }
0x6: {  	s4 =	srdreg.scid;
	s11 =	stileid.u32;
	s29 =	simm.s32 $0x186A0  }
0x7: {  	s30 =	simm.s32 $0x7;
	s31 =	simm.s32 $0x13880;
	s8 =	smul.u32 $0x4E000, s11  }
0x8: {  	s6 =	sand.u32 $0x1, s4;
	s4 =	simm.s32 $0x0;
	s15 =	smul.u32 $0x13800, s11  }
0x9: {  	p0 =	sne.s32 s11, $0xF;
	s7 =	smul.u32 $0x27100, s6;
	[smem:$0x7FF] =	sst s4  }
0xa: {  	_ =	strace $0x80000047;
	s12 =	sshrl.u32 s8, $0x2;
	s17 =	sshrl.u32 s15, $0x3  }
0xb: {  	s18 =	sadd.s32 s15, s2;
	s9 =	sadd.s32 s7, s5;
	s5 =	sadd.s32 s12, s2  }
0xc: {  	s8 =	simm.s32 $0x1AEA0;
	s15 =	simm.s32 $0x4;
	s14 =	sadd.s32 $0x12C00, s5  }
0xd: {  	s7 =	sshll.u32 s6, $0x4;
	s19 =	sadd.s32 $0x1400, s5;
	[dreg:$0x6] =	wrdreg s14  }
0xe: {  	s6 =	ssub.s32 $0x2, s6;
	s20 =	sadd.s32 $0x2800, s5;
	[dreg:$0xa] =	wrdreg s19  }
0xf: {  	s12 =	simm.s32 $0x1;
	s21 =	sadd.s32 $0x3C00, s5;
	[dreg:$0xb] =	wrdreg s20  }
0x10: {  	s10 =	sor.u32 s11, s7;
	s22 =	sadd.s32 $0x5000, s5;
	[dreg:$0xc] =	wrdreg s21  }
0x11: {  	s13 =	sshrl.u32 s6, $0x1;
	s23 =	sadd.s32 $0x6400, s5;
	[dreg:$0xd] =	wrdreg s22  }
0x12: {  	s7 =	sadd.s32 $0x138000, s2;
	s24 =	sadd.s32 $0x7800, s5;
	[dreg:$0xe] =	wrdreg s23  }
0x13: {  	s25 =	sadd.s32 $0x8C00, s5;
	s26 =	sadd.s32 $0xA000, s5;
	[dreg:$0xf] =	wrdreg s24  }
0x14: {  	s28 =	sadd.s32 $0x11800, s5;
	s11 =	simm.s32 $0x1D6A0;
	[dreg:$0x10] =	wrdreg s25  }
0x15: {  	s10 =	smul.u32 $0x4E2, s10;
	s6 =	ssub.s32 s6, s13;
	[dreg:$0x11] =	wrdreg s26  }
0x16: {  	s20 =	sadd.s32 $0xB400, s5;
	s21 =	sadd.s32 $0xC800, s5;
	s22 =	sadd.s32 $0xDC00, s5  }
0x17: {  	s23 =	sadd.s32 $0xF000, s5;
	s25 =	sshrl.u32 s18, $0x3;
	s26 =	sadd.s32 $0x10400, s5  }
0x18: {  	s13 =	simm.s32 $0x2;
	s14 =	simm.s32 $0x3;
	s6 =	smax.u32 s6, $0x1  }
0x19: {  	s0 =	sadd.s32 s0, s10;
	s16 =	sadd.s32 s3, s10;
	[dreg:$0x9] =	wrdreg s6  }
0x1a: {  	s10 =	sadd.s32 $0x600, s9;
	s3 =	simm.s32 $0x28;
	[dreg:$0x7] =	wrdreg s0  }
0x1b: {  	s6 =	simm.s32 $0x19AA0;
	s9 =	simm.s32 $0x1C2A0;
	[dreg:$0x8] =	wrdreg s16  }
0x1c: {  	v0 =	vimm.f32 $0.0e+00;
	s24 =	sadd.s32 s17, s10;
	s0 =	simm.s32 $0x6;
	s16 =	simm.s32 $0x5  }
.LBB2_1:
0x1d: {  	s17 =	simm.s32 $0x70;
	s18 =	simm.s32 $0x3C0  }
.LBB2_2:
0x1e: {  	p1 =	sne.s32 s18, $0x4FC0;
	[tilespmem:s17+$0x186A0] =	vst v0  }
0x1f: {  	[tilespmem:s17+$0x18630] =	vst v0  }
0x20: {  	[tilespmem:s17+$0x18640] =	vst v0  }
.Ltmp0:
0x21: {  	[tilespmem:s17+$0x18650] =	vst v0;
	(pc) =	sbr.rel @p1 .LBB2_2-.Ltmp0, $4  }
0x22: {  	[tilespmem:s17+$0x18660] =	vst v0  }
0x23: {  	[tilespmem:s17+$0x18670] =	vst v0  }
0x24: {  	[tilespmem:s17+$0x18680] =	vst v0  }
0x25: {  	[tilespmem:s17+$0x18690] =	vst v0;
	s17 =	sshra.s32 s18, $0x2;
	s18 =	sadd.s32 $0x200, s18  }
0x26: {  	[tilespmem:s17+$0x186A0] =	vst v0  }
0x27: {  	[tilespmem:s17+$0x18630] =	vst v0  }
0x28: {  	[tilespmem:s17+$0x18640] =	vst v0  }
0x29: {  	[tilespmem:s17+$0x18650] =	vst v0  }
0x2a: {  	[tilespmem:s17+$0x18660] =	vst v0  }
0x2b: {  	[tilespmem:s17+$0x18670] =	vst v0  }
0x2c: {  	[tilespmem:s17+$0x18680] =	vst v0  }
0x2d: {  	[tilespmem:s17+$0x18690] =	vst v0  }
0x2e: {  	[spmem:s5] =	stream.linear.scatter [tilespmem:s29], [sflag:$0x7], $0x1400, $0x38;
	[tilespmem:$0x1EAA0] =	vst v63  }
0x2f: {  	_ =	swait.ge [sflag:s30], $0x1400  }
0x30: {  	[sflag:s30] =	ssyncset.done $0x0  }
0x31: {  	s18 =	rddreg [dreg:$0xa];
	[sflag:s30] =	ssyncadd.s32 $0xFFFFEC00  }
0x32: {  	[spmem:s18] =	stream.linear.scatter [tilespmem:s29], [sflag:$0x7], $0x1400, $0x38;
	[tilespmem:$0x1EAA0] =	vst v63  }
0x33: {  	_ =	swait.ge [sflag:s30], $0x1400  }
0x34: {  	[sflag:s30] =	ssyncset.done $0x0  }
0x35: {  	s19 =	rddreg [dreg:$0xb];
	[sflag:s30] =	ssyncadd.s32 $0xFFFFEC00  }
0x36: {  	[spmem:s19] =	stream.linear.scatter [tilespmem:s29], [sflag:$0x7], $0x1400, $0x38;
	[tilespmem:$0x1EAA0] =	vst v63  }
0x37: {  	_ =	swait.ge [sflag:s30], $0x1400  }
0x38: {  	[sflag:s30] =	ssyncset.done $0x0  }
0x39: {  	s18 =	rddreg [dreg:$0xc];
	[sflag:s30] =	ssyncadd.s32 $0xFFFFEC00  }
0x3a: {  	[spmem:s18] =	stream.linear.scatter [tilespmem:s29], [sflag:$0x7], $0x1400, $0x38;
	[tilespmem:$0x1EAA0] =	vst v63  }
0x3b: {  	_ =	swait.ge [sflag:s30], $0x1400  }
0x3c: {  	[sflag:s30] =	ssyncset.done $0x0  }
0x3d: {  	s19 =	rddreg [dreg:$0xd];
	[sflag:s30] =	ssyncadd.s32 $0xFFFFEC00  }
0x3e: {  	[spmem:s19] =	stream.linear.scatter [tilespmem:s29], [sflag:$0x7], $0x1400, $0x38;
	[tilespmem:$0x1EAA0] =	vst v63  }
0x3f: {  	_ =	swait.ge [sflag:s30], $0x1400  }
0x40: {  	[sflag:s30] =	ssyncset.done $0x0  }
0x41: {  	s18 =	rddreg [dreg:$0xe];
	[sflag:s30] =	ssyncadd.s32 $0xFFFFEC00  }
0x42: {  	[spmem:s18] =	stream.linear.scatter [tilespmem:s29], [sflag:$0x7], $0x1400, $0x38;
	[tilespmem:$0x1EAA0] =	vst v63  }
0x43: {  	_ =	swait.ge [sflag:s30], $0x1400  }
0x44: {  	[sflag:s30] =	ssyncset.done $0x0  }
0x45: {  	s19 =	rddreg [dreg:$0xf];
	[sflag:s30] =	ssyncadd.s32 $0xFFFFEC00  }
0x46: {  	[spmem:s19] =	stream.linear.scatter [tilespmem:s29], [sflag:$0x7], $0x1400, $0x38;
	[tilespmem:$0x1EAA0] =	vst v63  }
0x47: {  	_ =	swait.ge [sflag:s30], $0x1400  }
0x48: {  	[sflag:s30] =	ssyncset.done $0x0  }
0x49: {  	s18 =	rddreg [dreg:$0x10];
	[sflag:s30] =	ssyncadd.s32 $0xFFFFEC00  }
0x4a: {  	[spmem:s18] =	stream.linear.scatter [tilespmem:s29], [sflag:$0x7], $0x1400, $0x38;
	[tilespmem:$0x1EAA0] =	vst v63  }
0x4b: {  	_ =	swait.ge [sflag:s30], $0x1400  }
0x4c: {  	[sflag:s30] =	ssyncset.done $0x0  }
0x4d: {  	s19 =	rddreg [dreg:$0x11];
	[sflag:s30] =	ssyncadd.s32 $0xFFFFEC00  }
0x4e: {  	[spmem:s19] =	stream.linear.scatter [tilespmem:s29], [sflag:$0x7], $0x1400, $0x38;
	[tilespmem:$0x1EAA0] =	vst v63  }
0x4f: {  	_ =	swait.ge [sflag:s30], $0x1400  }
0x50: {  	[sflag:s30] =	ssyncset.done $0x0  }
0x51: {  	[sflag:s30] =	ssyncadd.s32 $0xFFFFEC00  }
0x52: {  	[spmem:s20] =	stream.linear.scatter [tilespmem:s29], [sflag:$0x7], $0x1400, $0x38;
	[tilespmem:$0x1EAA0] =	vst v63  }
0x53: {  	_ =	swait.ge [sflag:s30], $0x1400  }
0x54: {  	[sflag:s30] =	ssyncset.done $0x0  }
0x55: {  	[sflag:s30] =	ssyncadd.s32 $0xFFFFEC00  }
0x56: {  	[spmem:s21] =	stream.linear.scatter [tilespmem:s29], [sflag:$0x7], $0x1400, $0x38;
	[tilespmem:$0x1EAA0] =	vst v63  }
0x57: {  	_ =	swait.ge [sflag:s30], $0x1400  }
0x58: {  	[sflag:s30] =	ssyncset.done $0x0  }
0x59: {  	[sflag:s30] =	ssyncadd.s32 $0xFFFFEC00  }
0x5a: {  	[spmem:s22] =	stream.linear.scatter [tilespmem:s29], [sflag:$0x7], $0x1400, $0x38;
	[tilespmem:$0x1EAA0] =	vst v63  }
0x5b: {  	_ =	swait.ge [sflag:s30], $0x1400  }
0x5c: {  	[sflag:s30] =	ssyncset.done $0x0  }
0x5d: {  	[sflag:s30] =	ssyncadd.s32 $0xFFFFEC00  }
0x5e: {  	[spmem:s23] =	stream.linear.scatter [tilespmem:s29], [sflag:$0x7], $0x1400, $0x38;
	[tilespmem:$0x1EAA0] =	vst v63  }
0x5f: {  	_ =	swait.ge [sflag:s30], $0x1400  }
0x60: {  	[sflag:s30] =	ssyncset.done $0x0  }
0x61: {  	[sflag:s30] =	ssyncadd.s32 $0xFFFFEC00  }
0x62: {  	[spmem:s26] =	stream.linear.scatter [tilespmem:s29], [sflag:$0x7], $0x1400, $0x38;
	[tilespmem:$0x1EAA0] =	vst v63  }
0x63: {  	_ =	swait.ge [sflag:s30], $0x1400  }
0x64: {  	[sflag:s30] =	ssyncset.done $0x0  }
0x65: {  	[sflag:s30] =	ssyncadd.s32 $0xFFFFEC00  }
0x66: {  	[spmem:s28] =	stream.linear.scatter [tilespmem:s29], [sflag:$0x7], $0x1400, $0x38;
	[tilespmem:$0x1EAA0] =	vst v63  }
0x67: {  	_ =	swait.ge [sflag:s30], $0x1400  }
0x68: {  	[sflag:s30] =	ssyncset.done $0x0  }
0x69: {  	s18 =	rddreg [dreg:$0x6];
	[sflag:s30] =	ssyncadd.s32 $0xFFFFEC00  }
0x6a: {  	[spmem:s18] =	stream.linear.scatter [tilespmem:s29], [sflag:$0x7], $0xC00, $0x38;
	[tilespmem:$0x1EAA0] =	vst v63  }
0x6b: {  	_ =	swait.ge [sflag:s30], $0xC00  }
0x6c: {  	[sflag:s30] =	ssyncset.done $0x0  }
0x6d: {  	s17 =	simm.s32 @!p0 $0x186A0;
	[sflag:s30] =	ssyncadd.s32 $0xFFFFF400  }
0x6e: {  	[spmem:s7] =	stream.linear.scatter @!p0 [tilespmem:s17], [sflag:$0x7], $0x800, $0x38;
	[tilespmem:$0x1EAA0] =	vst v63  }
0x6f: {  	s17 =	simm.s32 @!p0 $0x7  }
0x70: {  	_ =	swait.ge @!p0 [sflag:s17], $0x800  }
0x71: {  	[sflag:s17] =	ssyncset.done @!p0 $0x0  }
0x72: {  	s18 =	rddreg [dreg:$0x7];
	[sflag:s17] =	ssyncadd.s32 @!p0 $0xFFFFF800;
	s17 =	simm.s32 $0x0  }
0x73: {  	[tilespmem:s31], [sflag:$0x6] =	stream.linear.gather [hbm4b:s18+s17], $0x2710, $0x38;
	[tilespmem:$0x1EAA0] =	vst v63  }
0x74: {  	s19 =	simm.s32 $0x15F90;
	s18 =	rddreg [dreg:$0x8]  }
0x75: {  	[tilespmem:s19], [sflag:$0x6] =	stream.linear.gather [hbm4b:s18+s17], $0x2710, $0x38;
	[tilespmem:$0x1EAA0] =	vst v63  }
0x76: {  	_ =	swait.ge [sflag:s0], $0x2710  }
0x77: {  	[sflag:s0] =	ssyncset.done $0x0  }
0x78: {  	[sflag:s0] =	ssyncadd.s32 $0xFFFFD8F0  }
0x79: {  	_ =	swait.ge [sflag:s0], $0x2710  }
0x7a: {  	[sflag:s0] =	ssyncset.done $0x0  }
0x7b: {  	[sflag:s0] =	ssyncadd.s32 $0xFFFFD8F0  }
0x7c: {  	[bflag:$0x0] =	sbarrier.arrive $0xFFFF  }
0x7d: {  	[tilespmem:s29], [sflag:$0x1] =	stream.indirect.gather [hbm4b:s1+s3], $0x80, s31, s3, $0xb8;
	[tilespmem:$0x1EAA0] =	vst v63  }
0x7e: {  	s19 =	simm.s32 $0x138A8  }
0x7f: {  	[tilespmem:s6], [sflag:$0x2] =	stream.indirect.gather [hbm4b:s1+s3], $0x80, s19, s3, $0xb8;
	[tilespmem:$0x1EAA0] =	vst v63  }
0x80: {  	s18 =	simm.s32 $0x138D0  }
0x81: {  	[tilespmem:s8], [sflag:$0x3] =	stream.indirect.gather [hbm4b:s1+s3], $0x80, s18, s3, $0xb8;
	[tilespmem:$0x1EAA0] =	vst v63  }
0x82: {  	s19 =	simm.s32 $0x138F8  }
0x83: {  	[tilespmem:s9], [sflag:$0x4] =	stream.indirect.gather [hbm4b:s1+s3], $0x80, s19, s3, $0xb8;
	[tilespmem:$0x1EAA0] =	vst v63  }
0x84: {  	s18 =	simm.s32 $0x13920  }
0x85: {  	[tilespmem:s11], [sflag:$0x5] =	stream.indirect.gather [hbm4b:s1+s3], $0x80, s18, s3, $0xb8;
	[tilespmem:$0x1EAA0] =	vst v63  }
0x86: {  	_ =	swait.ge [sflag:s12], $0x1400  }
0x87: {  	[sflag:s12] =	ssyncset.done $0x0  }
0x88: {  	s19 =	simm.s32 $0x15F90;
	[sflag:s12] =	ssyncadd.s32 $0xFFFFEC00  }
0x89: {  	[spmem:s2] =	stream.indirect.scatter.add.f32 [tilespmem:s29], [sflag:$0x7], $0x80, s19, s3, $0xb8;
	[tilespmem:$0x1EAA0] =	vst v63  }
0x8a: {  	_ =	swait.ge [sflag:s30], $0x1400  }
0x8b: {  	[sflag:s30] =	ssyncset.done $0x0  }
0x8c: {  	s18 =	simm.s32 $0x13948;
	[sflag:s30] =	ssyncadd.s32 $0xFFFFEC00  }
0x8d: {  	[tilespmem:s29], [sflag:$0x1] =	stream.indirect.gather [hbm4b:s1+s3], $0x80, s18, s3, $0xb8;
	[tilespmem:$0x1EAA0] =	vst v63  }
0x8e: {  	_ =	swait.ge [sflag:s13], $0x1400  }
0x8f: {  	[sflag:s13] =	ssyncset.done $0x0  }
0x90: {  	s19 =	simm.s32 $0x15FB8;
	[sflag:s13] =	ssyncadd.s32 $0xFFFFEC00  }
0x91: {  	[spmem:s2] =	stream.indirect.scatter.add.f32 [tilespmem:s6], [sflag:$0x7], $0x80, s19, s3, $0xb8;
	[tilespmem:$0x1EAA0] =	vst v63  }
0x92: {  	_ =	swait.ge [sflag:s30], $0x1400  }
0x93: {  	[sflag:s30] =	ssyncset.done $0x0  }
0x94: {  	s18 =	simm.s32 $0x13970;
	[sflag:s30] =	ssyncadd.s32 $0xFFFFEC00  }
0x95: {  	[tilespmem:s6], [sflag:$0x2] =	stream.indirect.gather [hbm4b:s1+s3], $0x80, s18, s3, $0xb8;
	[tilespmem:$0x1EAA0] =	vst v63  }
0x96: {  	_ =	swait.ge [sflag:s14], $0x1400  }
0x97: {  	[sflag:s14] =	ssyncset.done $0x0  }
0x98: {  	s19 =	simm.s32 $0x15FE0;
	[sflag:s14] =	ssyncadd.s32 $0xFFFFEC00  }
0x99: {  	[spmem:s2] =	stream.indirect.scatter.add.f32 [tilespmem:s8], [sflag:$0x7], $0x80, s19, s3, $0xb8;
	[tilespmem:$0x1EAA0] =	vst v63  }
0x9a: {  	_ =	swait.ge [sflag:s30], $0x1400  }
0x9b: {  	[sflag:s30] =	ssyncset.done $0x0  }
0x9c: {  	s18 =	simm.s32 $0x13998;
	[sflag:s30] =	ssyncadd.s32 $0xFFFFEC00  }
0x9d: {  	[tilespmem:s8], [sflag:$0x3] =	stream.indirect.gather [hbm4b:s1+s3], $0x80, s18, s3, $0xb8;
	[tilespmem:$0x1EAA0] =	vst v63  }
0x9e: {  	_ =	swait.ge [sflag:s15], $0x1400  }
0x9f: {  	[sflag:s15] =	ssyncset.done $0x0  }
0xa0: {  	s19 =	simm.s32 $0x16008;
	[sflag:s15] =	ssyncadd.s32 $0xFFFFEC00  }
0xa1: {  	[spmem:s2] =	stream.indirect.scatter.add.f32 [tilespmem:s9], [sflag:$0x7], $0x80, s19, s3, $0xb8;
	[tilespmem:$0x1EAA0] =	vst v63  }
0xa2: {  	_ =	swait.ge [sflag:s30], $0x1400  }
0xa3: {  	[sflag:s30] =	ssyncset.done $0x0  }
0xa4: {  	s18 =	simm.s32 $0x139C0;
	[sflag:s30] =	ssyncadd.s32 $0xFFFFEC00  }
0xa5: {  	[tilespmem:s9], [sflag:$0x4] =	stream.indirect.gather [hbm4b:s1+s3], $0x80, s18, s3, $0xb8;
	[tilespmem:$0x1EAA0] =	vst v63  }
0xa6: {  	_ =	swait.ge [sflag:s16], $0x1400  }
0xa7: {  	[sflag:s16] =	ssyncset.done $0x0  }
0xa8: {  	s19 =	simm.s32 $0x16030;
	[sflag:s16] =	ssyncadd.s32 $0xFFFFEC00  }
0xa9: {  	[spmem:s2] =	stream.indirect.scatter.add.f32 [tilespmem:s11], [sflag:$0x7], $0x80, s19, s3, $0xb8;
	[tilespmem:$0x1EAA0] =	vst v63  }
0xaa: {  	_ =	swait.ge [sflag:s30], $0x1400  }
0xab: {  	[sflag:s30] =	ssyncset.done $0x0  }
0xac: {  	s17 =	simm.s32 $0x320;
	s18 =	simm.s32 $0x139E8;
	[sflag:s30] =	ssyncadd.s32 $0xFFFFEC00  }
.LBB2_4:
0xad: {  	[tilespmem:s11], [sflag:$0x5] =	stream.indirect.gather [hbm4b:s1+s3], $0x80, s18, s3, $0xb8;
	[tilespmem:$0x1EAA0] =	vst v63  }
0xae: {  	s18 =	smov.u32 s17  }
0xaf: {  	p1 =	sne.s32 s17, $0x9600;
	s17 =	sadd.s32 $0x320, s17;
	_ =	swait.ge [sflag:s12], $0x1400  }
0xb0: {  	s18 =	sshra.s32 s18, $0x2;
	[sflag:s12] =	ssyncset.done $0x0  }
0xb1: {  	s19 =	sadd.s32 $0x15F90, s18;
	[sflag:s12] =	ssyncadd.s32 $0xFFFFEC00  }
0xb2: {  	[spmem:s2] =	stream.indirect.scatter.add.f32 [tilespmem:s29], [sflag:$0x7], $0x80, s19, s3, $0xb8;
	[tilespmem:$0x1EAA0] =	vst v63  }
0xb3: {  	_ =	swait.ge [sflag:s30], $0x1400  }
0xb4: {  	[sflag:s30] =	ssyncset.done $0x0  }
0xb5: {  	s19 =	sadd.s32 $0x13948, s18;
	[sflag:s30] =	ssyncadd.s32 $0xFFFFEC00  }
0xb6: {  	[tilespmem:s29], [sflag:$0x1] =	stream.indirect.gather [hbm4b:s1+s3], $0x80, s19, s3, $0xb8;
	[tilespmem:$0x1EAA0] =	vst v63  }
0xb7: {  	_ =	swait.ge [sflag:s13], $0x1400  }
0xb8: {  	[sflag:s13] =	ssyncset.done $0x0  }
0xb9: {  	s19 =	sadd.s32 $0x15FB8, s18;
	[sflag:s13] =	ssyncadd.s32 $0xFFFFEC00  }
0xba: {  	[spmem:s2] =	stream.indirect.scatter.add.f32 [tilespmem:s6], [sflag:$0x7], $0x80, s19, s3, $0xb8;
	[tilespmem:$0x1EAA0] =	vst v63  }
0xbb: {  	_ =	swait.ge [sflag:s30], $0x1400  }
0xbc: {  	[sflag:s30] =	ssyncset.done $0x0  }
0xbd: {  	s19 =	sadd.s32 $0x13970, s18;
	[sflag:s30] =	ssyncadd.s32 $0xFFFFEC00  }
0xbe: {  	[tilespmem:s6], [sflag:$0x2] =	stream.indirect.gather [hbm4b:s1+s3], $0x80, s19, s3, $0xb8;
	[tilespmem:$0x1EAA0] =	vst v63  }
0xbf: {  	_ =	swait.ge [sflag:s14], $0x1400  }
0xc0: {  	[sflag:s14] =	ssyncset.done $0x0  }
0xc1: {  	s19 =	sadd.s32 $0x15FE0, s18;
	[sflag:s14] =	ssyncadd.s32 $0xFFFFEC00  }
0xc2: {  	[spmem:s2] =	stream.indirect.scatter.add.f32 [tilespmem:s8], [sflag:$0x7], $0x80, s19, s3, $0xb8;
	[tilespmem:$0x1EAA0] =	vst v63  }
0xc3: {  	_ =	swait.ge [sflag:s30], $0x1400  }
0xc4: {  	[sflag:s30] =	ssyncset.done $0x0  }
0xc5: {  	s19 =	sadd.s32 $0x13998, s18;
	[sflag:s30] =	ssyncadd.s32 $0xFFFFEC00  }
0xc6: {  	[tilespmem:s8], [sflag:$0x3] =	stream.indirect.gather [hbm4b:s1+s3], $0x80, s19, s3, $0xb8;
	[tilespmem:$0x1EAA0] =	vst v63  }
0xc7: {  	_ =	swait.ge [sflag:s15], $0x1400  }
0xc8: {  	[sflag:s15] =	ssyncset.done $0x0  }
0xc9: {  	s19 =	sadd.s32 $0x16008, s18;
	[sflag:s15] =	ssyncadd.s32 $0xFFFFEC00  }
0xca: {  	[spmem:s2] =	stream.indirect.scatter.add.f32 [tilespmem:s9], [sflag:$0x7], $0x80, s19, s3, $0xb8;
	[tilespmem:$0x1EAA0] =	vst v63  }
0xcb: {  	_ =	swait.ge [sflag:s30], $0x1400  }
0xcc: {  	[sflag:s30] =	ssyncset.done $0x0  }
0xcd: {  	s19 =	sadd.s32 $0x139C0, s18;
	[sflag:s30] =	ssyncadd.s32 $0xFFFFEC00  }
0xce: {  	[tilespmem:s9], [sflag:$0x4] =	stream.indirect.gather [hbm4b:s1+s3], $0x80, s19, s3, $0xb8;
	[tilespmem:$0x1EAA0] =	vst v63  }
0xcf: {  	_ =	swait.ge [sflag:s16], $0x1400  }
0xd0: {  	[sflag:s16] =	ssyncset.done $0x0  }
.Ltmp1:
0xd1: {  	s19 =	sadd.s32 $0x16030, s18;
	[sflag:s16] =	ssyncadd.s32 $0xFFFFEC00;
	(pc) =	sbr.rel @p1 .LBB2_4-.Ltmp1, $4  }
0xd2: {  	[spmem:s2] =	stream.indirect.scatter.add.f32 [tilespmem:s11], [sflag:$0x7], $0x80, s19, s3, $0xb8;
	[tilespmem:$0x1EAA0] =	vst v63  }
0xd3: {  	_ =	swait.ge [sflag:s30], $0x1400  }
0xd4: {  	[sflag:s30] =	ssyncset.done $0x0  }
0xd5: {  	s18 =	sadd.s32 $0x139E8, s18;
	[sflag:s30] =	ssyncadd.s32 $0xFFFFEC00  }
0xd6: {  	[tilespmem:s11], [sflag:$0x5] =	stream.indirect.gather [hbm4b:s1+s3], $0x80, s18, s3, $0xb8;
	[tilespmem:$0x1EAA0] =	vst v63  }
0xd7: {  	_ =	swait.ge [sflag:s12], $0x1400  }
0xd8: {  	[sflag:s12] =	ssyncset.done $0x0  }
0xd9: {  	s17 =	simm.s32 $0x185D8;
	[sflag:s12] =	ssyncadd.s32 $0xFFFFEC00  }
0xda: {  	[spmem:s2] =	stream.indirect.scatter.add.f32 [tilespmem:s29], [sflag:$0x7], $0x80, s17, s3, $0xb8;
	[tilespmem:$0x1EAA0] =	vst v63  }
0xdb: {  	_ =	swait.ge [sflag:s30], $0x1400  }
0xdc: {  	[sflag:s30] =	ssyncset.done $0x0  }
0xdd: {  	[sflag:s30] =	ssyncadd.s32 $0xFFFFEC00  }
0xde: {  	_ =	swait.ge [sflag:s13], $0x1400  }
0xdf: {  	[sflag:s13] =	ssyncset.done $0x0  }
0xe0: {  	s18 =	simm.s32 $0x18600;
	[sflag:s13] =	ssyncadd.s32 $0xFFFFEC00  }
0xe1: {  	[spmem:s2] =	stream.indirect.scatter.add.f32 [tilespmem:s6], [sflag:$0x7], $0x80, s18, s3, $0xb8;
	[tilespmem:$0x1EAA0] =	vst v63  }
0xe2: {  	_ =	swait.ge [sflag:s30], $0x1400  }
0xe3: {  	[sflag:s30] =	ssyncset.done $0x0  }
0xe4: {  	[sflag:s30] =	ssyncadd.s32 $0xFFFFEC00  }
0xe5: {  	_ =	swait.ge [sflag:s14], $0x1400  }
0xe6: {  	[sflag:s14] =	ssyncset.done $0x0  }
0xe7: {  	s19 =	simm.s32 $0x18628;
	[sflag:s14] =	ssyncadd.s32 $0xFFFFEC00  }
0xe8: {  	[spmem:s2] =	stream.indirect.scatter.add.f32 [tilespmem:s8], [sflag:$0x7], $0x80, s19, s3, $0xb8;
	[tilespmem:$0x1EAA0] =	vst v63  }
0xe9: {  	_ =	swait.ge [sflag:s30], $0x1400  }
0xea: {  	[sflag:s30] =	ssyncset.done $0x0  }
0xeb: {  	[sflag:s30] =	ssyncadd.s32 $0xFFFFEC00  }
0xec: {  	_ =	swait.ge [sflag:s15], $0x1400  }
0xed: {  	[sflag:s15] =	ssyncset.done $0x0  }
0xee: {  	s18 =	simm.s32 $0x18650;
	[sflag:s15] =	ssyncadd.s32 $0xFFFFEC00  }
0xef: {  	[spmem:s2] =	stream.indirect.scatter.add.f32 [tilespmem:s9], [sflag:$0x7], $0x80, s18, s3, $0xb8;
	[tilespmem:$0x1EAA0] =	vst v63  }
0xf0: {  	_ =	swait.ge [sflag:s30], $0x1400  }
0xf1: {  	[sflag:s30] =	ssyncset.done $0x0  }
0xf2: {  	[sflag:s30] =	ssyncadd.s32 $0xFFFFEC00  }
0xf3: {  	_ =	swait.ge [sflag:s16], $0x1400  }
0xf4: {  	[sflag:s16] =	ssyncset.done $0x0  }
0xf5: {  	s19 =	simm.s32 $0x18678;
	[sflag:s16] =	ssyncadd.s32 $0xFFFFEC00  }
0xf6: {  	[spmem:s2] =	stream.indirect.scatter.add.f32 [tilespmem:s11], [sflag:$0x7], $0x80, s19, s3, $0xb8;
	[tilespmem:$0x1EAA0] =	vst v63  }
0xf7: {  	_ =	swait.ge [sflag:s30], $0x1400  }
0xf8: {  	s18 =	stileid.u32;
	[sflag:s30] =	ssyncset.done $0x0  }
0xf9: {  	s17 =	sshll.u32 s18, $0x6;
	[sflag:s30] =	ssyncadd.s32 $0xFFFFEC00  }
0xfa: {  	s17 =	sor.u32 $0x1C07, s17;
	[bflag:$0x0] =	sbarrier.arrive $0xFFFF  }
0xfb: {  	[hbm:s24], [sflag:s17] =	dma.local [spmem:s25], $0x2700  }
0xfc: {  	_ =	swait.ge [sflag:s30], $0x2700  }
0xfd: {  	[sflag:s30] =	ssyncset.done $0x0  }
0xfe: {  	s18 =	sadd.s32 @!p0 $0x27000, s10;
	s19 =	sshrl.u32 @!p0 s7, $0x3;
	[sflag:s30] =	ssyncadd.s32 $0xFFFFD900  }
0xff: {  	[hbm:s18], [sflag:s17] =	dma.local @!p0 [spmem:s19], $0x100  }
0x100: {  	s17 =	simm.s32 @!p0 $0x7  }
0x101: {  	_ =	swait.ge @!p0 [sflag:s17], $0x100  }
0x102: {  	s4 =	sadd.s32 $0x1, s4;
	s19 =	rddreg [dreg:$0x9]  }
0x103: {  	p1 =	sne.s32 s4, s19  }
.Ltmp2:
0x104: {  	_ = 	snop;
	(pc) =	sbr.rel @p1 .LBB2_1-.Ltmp2, $3  }
0x105: {  	_ =	sdelay $0x1  }
0x106: {  	[sflag:s17] =	ssyncset.done @!p0 $0x0  }
0x107: {  	[sflag:s17] =	ssyncadd.s32 @!p0 $0xFFFFFF00  }
0x108: {  	_ =	sfence.sel $0x180000  }
0x109: {  	[bflag:$0x0] =	sbarrier.arrive $0xFFFF  }
0x10a: {  	_ =	strace $0x90000047  }
0x10b: {  	s0 =	stileid.u32;
	[bflag:$0x2] =	sbarrier.arrive $0xFFFF  }
0x10c: {  	p0 =	sne.s32 s0, $0x0;
	s0 =	rddreg [dreg:$0x5]  }
0x10d: {  	s0 =	sadd.s32 @!p0 $0x100000, s0  }
0x10e: {  	[sflag:s0] =	ssyncadd.tile.s32 @!p0 $0x1;
	_ =	shalt  }
.Lfunc_end2:
_tile_overlayer_lowered:
.L_overlay_start_2:
0x10f: {  	(tag) =	ssettag $0x2  }
0x110: {  	s0 =	rddreg [dreg:$0x0];
	s2 =	stileid.u32  }
0x111: {  	s1 =	rddreg [dreg:$0x1];
	p0 =	sne.s32 s2, $0x0  }
0x112: {  	s3 =	rddreg [dreg:$0x2];
	[bflag:$0x3] =	sbarrier.arrive $0xFFFF;
	s2 =	simm.s32 @!p0 $0x1C07  }
0x113: {  	[timem:s3], [sflag:s2] =	dma.local @!p0 [hbm:s0], s1  }
0x114: {  	s0 =	simm.s32 @!p0 $0x7  }
0x115: {  	_ =	swait.ge @!p0 [sflag:s0], s1  }
0x116: {  	s1 =	ssub.s32 @!p0 $0x0, s1;
	[sflag:s0] =	ssyncset.done @!p0 $0x0  }
0x117: {  	[sflag:s0] =	ssyncadd.s32 @!p0 s1  }
0x118: {  	[bflag:$0x3] =	sbarrier.arrive $0xFFFF  }
0x119: {  	_ =	shalt  }

</sc_bundles>
